<compile_context>
chip_gen: v7x
topology: tpu7x:2x2x1
jax: 0.10.2.dev20260603
libtpu: 0.0.44.dev20260713+nightly
codegen_flags: <defaults>
</compile_context>

<pallas_src>
import functools

import jax
import jax.numpy as jnp
from jax import lax
from jax.experimental import pallas as pl
from jax.experimental.pallas import tpu as pltpu
from jax.experimental.pallas import tpu_sc as plsc

N = 10000
D = 128
E = 320000
MIN_NORM = 1e-15
EPS = 4e-3

NC, NS = 2, 16
CH = 128
CPT = 160
E_PAD = NS * CPT * CH
OWN = 5120
DUMP = 128
NA = OWN + DUMP
RZT = NA // NS
RWT = OWN // NS
CB = 48


def _logmap_body(x_ref, o_ref):
    p = x_ref[...]
    pn = jnp.maximum(jnp.sqrt(jnp.sum(p * p, axis=1, keepdims=True)), MIN_NORM)
    t = jnp.clip(pn, -1.0 + 1e-7, 1.0 - 1e-7)
    o_ref[...] = ((0.5 * jnp.log((1.0 + t) / (1.0 - t))) / pn) * p


def _final_body(p_ref, c_ref, o_ref):
    m = p_ref[...] / jnp.maximum(c_ref[...], 1.0)
    un = jnp.maximum(jnp.sqrt(jnp.sum(m * m, axis=1, keepdims=True)), MIN_NORM)
    e = jnp.tanh(un) * m / un
    en = jnp.maximum(jnp.sqrt(jnp.sum(e * e, axis=1, keepdims=True)), MIN_NORM)
    maxnorm = 1.0 - EPS
    o_ref[...] = jnp.where(en > maxnorm, e / en * maxnorm, e)


def _make_sc_scatter():
    mesh = plsc.VectorSubcoreMesh(core_axis_name="c", subcore_axis_name="s")

    @functools.partial(
        pl.kernel,
        out_type=(
            jax.ShapeDtypeStruct((NC, OWN, D), jnp.float32),
            jax.ShapeDtypeStruct((NC, CB, D), jnp.float32),
        ),
        mesh=mesh,
        compiler_params=pltpu.CompilerParams(needs_layout_passes=False),
        scratch_types=[
            pltpu.VMEM((CPT, CH), jnp.int32),
            pltpu.VMEM((CPT, CH), jnp.int32),
            pltpu.VMEM((2, CH, D), jnp.float32),
            pltpu.VMEM((CB, D), jnp.float32),
            pltpu.VMEM((CB,), jnp.int32),
            pltpu.VMEM_SHARED((NA, D), jnp.float32),
            pltpu.VMEM_SHARED((CB, D), jnp.float32),
            pltpu.SemaphoreType.DMA,
            pltpu.SemaphoreType.DMA,
            pltpu.SemaphoreType.DMA,
        ],
    )
    def sc_scatter(xl_hbm, sidx_hbm, ridx_hbm, zeros_hbm, iota_hbm,
                   out_hbm, cnt_hbm,
                   sidx_v, ridx_v, rows_v, hist_v, idt_v, acc, cacc,
                   sem, sem2, sem3):
        core = lax.axis_index("c")
        sub = lax.axis_index("s")
        base = core * OWN

        pltpu.sync_copy(zeros_hbm, acc.at[pl.ds(sub * RZT, RZT)])
        pltpu.sync_copy(zeros_hbm.at[pl.ds(0, CB)], hist_v)
        pltpu.sync_copy(iota_hbm, idt_v)

        @pl.when(sub == 0)
        def _():
            pltpu.sync_copy(zeros_hbm.at[pl.ds(0, CB)], cacc)
        pltpu.sync_copy(sidx_hbm.at[pl.ds(sub * CPT, CPT)], sidx_v)
        pltpu.sync_copy(ridx_hbm.at[pl.ds(sub * CPT, CPT)], ridx_v)

        ones16 = jnp.full((16,), 1.0, jnp.float32)
        iota16 = lax.iota(jnp.int32, 16)

        def compact(j, curv):
            for k in range(CH // 16):
                s16 = sidx_v[j, pl.ds(k * 16, 16)]
                r16 = ridx_v[j, pl.ds(k * 16, 16)]
                rr = r16 - base
                owned = jnp.logical_and(
                    jnp.logical_and(rr >= 0, rr < OWN), r16 < N)
                oi = jnp.where(owned, 1, 0).astype(jnp.int32)
                cs = plsc.cumsum(oi)
                pos = curv + cs - oi
                pr = lax.shift_right_logical(pos, 7)
                pc = lax.bitwise_and(pos, CH - 1)
                plsc.store_scatter(sidx_v, [pr, pc], s16, mask=owned)
                plsc.store_scatter(ridx_v, [pr, pc], rr, mask=owned)
                plsc.addupdate_scatter(
                    hist_v,
                    [lax.shift_right_logical(rr, 7),
                     lax.bitwise_and(rr, CH - 1)],
                    ones16, mask=owned)
                curv = curv + cs.at[jnp.full((16,), 15, jnp.int32)].get(
                    mode="promise_in_bounds")
            return curv

        curv = lax.fori_loop(0, CPT, compact, jnp.zeros((16,), jnp.int32))

        for g in range(CH // 16):
            lane = g * 16 + iota16
            pos = curv + lane
            okp = pos < CPT * CH
            pr = lax.shift_right_logical(pos, 7)
            pc = lax.bitwise_and(pos, CH - 1)
            plsc.store_scatter(sidx_v, [pr, pc], lane * 64, mask=okp)
            plsc.store_scatter(ridx_v, [pr, pc], OWN + lane, mask=okp)
        cur = jnp.sum(jnp.where(iota16 == 0, curv, 0))
        nch = lax.shift_right_logical(cur + CH - 1, 7)

        plsc.subcore_barrier()

        HF = CH // 2

        def gather2(q, p):
            pltpu.async_copy(xl_hbm.at[sidx_v.at[q, pl.ds(0, HF)]],
                             rows_v.at[p, pl.ds(0, HF)], sem)
            pltpu.async_copy(xl_hbm.at[sidx_v.at[q, pl.ds(HF, HF)]],
                             rows_v.at[p, pl.ds(HF, HF)], sem3)

        def gather2_wait(q, p):
            pltpu.make_async_copy(xl_hbm.at[sidx_v.at[q, pl.ds(0, HF)]],
                                  rows_v.at[p, pl.ds(0, HF)], sem).wait()
            pltpu.make_async_copy(xl_hbm.at[sidx_v.at[q, pl.ds(HF, HF)]],
                                  rows_v.at[p, pl.ds(HF, HF)], sem3).wait()

        @pl.when(nch > 0)
        def _():
            gather2(0, 0)

        def chunk(q, carry):
            p = lax.bitwise_and(q, 1)
            gather2_wait(q, p)

            @pl.when(q > 0)
            def _():
                pltpu.make_async_copy(
                    rows_v.at[1 - p], acc.at[ridx_v.at[q - 1]], sem2).wait()

            pltpu.async_copy(rows_v.at[p], acc.at[ridx_v.at[q]], sem2,
                             add=True)

            @pl.when(q < nch - 1)
            def _():
                gather2(q + 1, 1 - p)

            return carry

        lax.fori_loop(0, nch, chunk, 0)

        @pl.when(nch > 0)
        def _():
            lastp = lax.bitwise_and(nch - 1, 1)
            pltpu.make_async_copy(
                rows_v.at[lastp], acc.at[ridx_v.at[nch - 1]], sem2).wait()

        pltpu.sync_copy(hist_v, cacc.at[idt_v], add=True)
        plsc.subcore_barrier()
        pltpu.sync_copy(acc.at[pl.ds(sub * RWT, RWT)],
                        out_hbm.at[core, pl.ds(sub * RWT, RWT)])

        @pl.when(sub == 0)
        def _():
            pltpu.sync_copy(cacc, cnt_hbm.at[core])

    return sc_scatter


_sc_scatter = _make_sc_scatter()


def kernel(x, adj, key):
    del key
    xl = pl.pallas_call(
        _logmap_body,
        grid=(10,),
        in_specs=[pl.BlockSpec((N // 10, D), lambda i: (i, 0))],
        out_specs=pl.BlockSpec((N // 10, D), lambda i: (i, 0)),
        out_shape=jax.ShapeDtypeStruct((N, D), jnp.float32),
    )(x)

    pad = E_PAD - E
    pi = jnp.arange(pad, dtype=jnp.int32)
    s = jnp.concatenate([adj[0], pi % N])
    r = jnp.concatenate([adj[1], jnp.full((pad,), N, jnp.int32)])
    s2 = s.reshape(E_PAD // CH, CH)
    r2 = r.reshape(E_PAD // CH, CH)
    zeros = jnp.zeros((RZT, D), jnp.float32)
    iota = jnp.arange(CB, dtype=jnp.int32)

    partial, cnt_planes = _sc_scatter(xl, s2, r2, zeros, iota)
    sums = partial.reshape(NC * OWN, D)
    counts = jnp.concatenate(
        [cnt_planes[0].reshape(-1)[:OWN], cnt_planes[1].reshape(-1)[:OWN]]
    )[:N, None]

    out = pl.pallas_call(
        _final_body,
        grid=(10,),
        in_specs=[
            pl.BlockSpec((N // 10, D), lambda i: (i, 0)),
            pl.BlockSpec((N // 10, 1), lambda i: (i, 0)),
        ],
        out_specs=pl.BlockSpec((N // 10, D), lambda i: (i, 0)),
        out_shape=jax.ShapeDtypeStruct((N, D), jnp.float32),
    )(sums, counts)
    return out

# --- scband reference (transcript-rebuilt; emitter-appended) ---
"""Pipeline reference for scband-hyp-agg-75187697484266 (READ-ONLY COPY).

The authoritative reference and input builder live on the scoring server;
editing this copy changes nothing except your own understanding.
"""

import jax, jax.numpy as jnp
import numpy as np

C = 1.0
N = 10000
D = 128
E = 320000
MIN_NORM = 1e-15
EPS = 4e-3

def _artanh(x):
    x = jnp.clip(x, -1.0 + 1e-7, 1.0 - 1e-7)
    return jnp.arctanh(x)

def logmap0(p, c):
    sqrt_c = c ** 0.5
    p_norm = jnp.clip(jnp.linalg.norm(p, axis=-1, keepdims=True), MIN_NORM)
    scale = _artanh(sqrt_c * p_norm) / (sqrt_c * p_norm)
    return scale * p

def expmap0(u, c):
    sqrt_c = c ** 0.5
    u_norm = jnp.clip(jnp.linalg.norm(u, axis=-1, keepdims=True), MIN_NORM)
    return jnp.tanh(sqrt_c * u_norm) * u / (sqrt_c * u_norm)

def proj(x, c):
    norm = jnp.clip(jnp.linalg.norm(x, axis=-1, keepdims=True), MIN_NORM)
    maxnorm = (1.0 - EPS) / (c ** 0.5)
    cond = norm > maxnorm
    projected = x / norm * maxnorm
    return jnp.where(cond, projected, x)

def setup_inputs(seed: int = 0) -> dict:
    key = jax.random.key(seed)
    k1, k2 = jax.random.split(key)
    x = jax.random.normal(k1, (N, D), dtype=jnp.float32)
    adj = jax.random.randint(k2, (2, E), 0, N, dtype=jnp.int32)
    return {"x": x, "adj": adj, "key": 0}

def reference(x, adj, key):
    # HypAgg forward: use_att=False, edge_conv=False, agg='mean', manifold=PoincareBall
    s, r = adj[0], adj[1]
    n = x.shape[0]
    xl = logmap0(x, C)
    x_s = jnp.take(xl, s, axis=0)            # gather by source node
    sums = jnp.zeros((n, xl.shape[-1]), xl.dtype).at[r].add(x_s)  # scatter-add
    counts = jnp.zeros((n,), xl.dtype).at[r].add(1.0)
    x_agg = sums / jnp.maximum(counts, 1.0)[:, None]              # segment_mean
    return proj(expmap0(x_agg, C), C)

if __name__ == "__main__":
    import jax
    _d = setup_inputs()
    print(jax.jit(kernel)(*tuple(_d.values())))

</pallas_src>

<mosaic_0001>
#map = affine_map<(d0, d1) -> (0, 0)>
#map1 = affine_map<(d0, d1) -> (0)>
#map2 = affine_map<(d0, d1) -> (0, 0, 0)>
module attributes {stable_mosaic.version = 14 : i64} {
  func.func @sc_scatter(%arg0: i32, %arg1: i32, %arg2: memref<10000x128xf32, #tpu.memory_space<hbm>>, %arg3: memref<2560x128xi32, #tpu.memory_space<hbm>>, %arg4: memref<2560x128xi32, #tpu.memory_space<hbm>>, %arg5: memref<328x128xf32, #tpu.memory_space<hbm>>, %arg6: memref<48xi32, #tpu.memory_space<hbm>>, %arg7: memref<2x5120x128xf32, #tpu.memory_space<hbm>>, %arg8: memref<2x48x128xf32, #tpu.memory_space<hbm>>, %arg9: memref<160x128xi32, #tpu.memory_space<vmem>>, %arg10: memref<160x128xi32, #tpu.memory_space<vmem>>, %arg11: memref<2x128x128xf32, #tpu.memory_space<vmem>>, %arg12: memref<48x128xf32, #tpu.memory_space<vmem>>, %arg13: memref<48xi32, #tpu.memory_space<vmem>>, %arg14: memref<5248x128xf32, #tpu.memory_space<vmem_shared>>, %arg15: memref<48x128xf32, #tpu.memory_space<vmem_shared>>, %arg16: memref<!tpu.dma_semaphore, #tpu.memory_space<semaphore_mem>>, %arg17: memref<!tpu.dma_semaphore, #tpu.memory_space<semaphore_mem>>, %arg18: memref<!tpu.dma_semaphore, #tpu.memory_space<semaphore_mem>>) attributes {dimension_semantics = [#tpu.dimension_semantics<core_parallel>, #tpu.dimension_semantics<subcore_parallel>], iteration_bounds = array<i64: 2, 16>, scalar_prefetch = 0 : i64, scratch_operands = 10 : i64, tpu.core_type = #tpu.core_type<sc_vector_subcore>, window_params = [{transform_indices = #map}, {transform_indices = #map}, {transform_indices = #map}, {transform_indices = #map}, {transform_indices = #map1}, {transform_indices = #map2}, {transform_indices = #map2}]} {
    %mul3A = arith.constant 5120 : i32
    %mul3A_0 = arith.muli %arg0, %mul3A : i32
    %mul3A_1 = arith.constant 328 : i32
    %mul3A_2 = arith.muli %arg1, %mul3A_1 : i32
    "tpu.region"() ({
      %run_scoped3A = tpu.sem_alloc : memref<!tpu.dma_semaphore, #tpu.memory_space<semaphore_mem>>
      %dma_start3A = arith.constant 0 : i32
      %dma_start3A_205 = tpu.memref_slice %arg14[%mul3A_2, %dma_start3A] : memref<5248x128xf32, #tpu.memory_space<vmem_shared>> -> memref<328x128xf32, #tpu.memory_space<vmem_shared>>
      tpu.enqueue_dma source(%arg5 : memref<328x128xf32, #tpu.memory_space<hbm>>) target(%dma_start3A_205 : memref<328x128xf32, #tpu.memory_space<vmem_shared>>) target_semaphore(%run_scoped3A : memref<!tpu.dma_semaphore, #tpu.memory_space<semaphore_mem>>)
      %dma_wait3A = arith.constant 0 : i32
      %dma_wait3A_206 = tpu.memref_slice %arg14[%mul3A_2, %dma_wait3A] : memref<5248x128xf32, #tpu.memory_space<vmem_shared>> -> memref<328x128xf32, #tpu.memory_space<vmem_shared>>
      tpu.wait_dma2 semaphore(%run_scoped3A : memref<!tpu.dma_semaphore, #tpu.memory_space<semaphore_mem>>) src(%arg5 : memref<328x128xf32, #tpu.memory_space<hbm>>) dst(%dma_wait3A_206 : memref<328x128xf32, #tpu.memory_space<vmem_shared>>)
      tpu.yield
    }) : () -> ()
    "tpu.region"() ({
      %run_scoped3A = tpu.sem_alloc : memref<!tpu.dma_semaphore, #tpu.memory_space<semaphore_mem>>
      %dma_start3A = arith.constant 0 : i32
      %dma_start3A_205 = arith.constant 0 : i32
      %dma_start3A_206 = tpu.memref_slice %arg5[%dma_start3A, %dma_start3A_205] : memref<328x128xf32, #tpu.memory_space<hbm>> -> memref<48x128xf32, #tpu.memory_space<hbm>>
      %dma_start3A_207 = arith.constant 0 : i32
      %dma_start3A_208 = arith.constant 0 : i32
      %dma_start3A_209 = tpu.memref_slice %arg5[%dma_start3A_207, %dma_start3A_208] : memref<328x128xf32, #tpu.memory_space<hbm>> -> memref<48x128xf32, #tpu.memory_space<hbm>>
      tpu.enqueue_dma source(%dma_start3A_209 : memref<48x128xf32, #tpu.memory_space<hbm>>) target(%arg12 : memref<48x128xf32, #tpu.memory_space<vmem>>) target_semaphore(%run_scoped3A : memref<!tpu.dma_semaphore, #tpu.memory_space<semaphore_mem>>)
      %dma_wait3A = arith.constant 0 : i32
      %dma_wait3A_210 = arith.constant 0 : i32
      %dma_wait3A_211 = tpu.memref_slice %arg5[%dma_wait3A, %dma_wait3A_210] : memref<328x128xf32, #tpu.memory_space<hbm>> -> memref<48x128xf32, #tpu.memory_space<hbm>>
      %dma_wait3A_212 = arith.constant 0 : i32
      %dma_wait3A_213 = arith.constant 0 : i32
      %dma_wait3A_214 = tpu.memref_slice %arg5[%dma_wait3A_212, %dma_wait3A_213] : memref<328x128xf32, #tpu.memory_space<hbm>> -> memref<48x128xf32, #tpu.memory_space<hbm>>
      tpu.wait_dma2 semaphore(%run_scoped3A : memref<!tpu.dma_semaphore, #tpu.memory_space<semaphore_mem>>) src(%dma_wait3A_214 : memref<48x128xf32, #tpu.memory_space<hbm>>) dst(%arg12 : memref<48x128xf32, #tpu.memory_space<vmem>>)
      tpu.yield
    }) : () -> ()
    "tpu.region"() ({
      %run_scoped3A = tpu.sem_alloc : memref<!tpu.dma_semaphore, #tpu.memory_space<semaphore_mem>>
      tpu.enqueue_dma source(%arg6 : memref<48xi32, #tpu.memory_space<hbm>>) target(%arg13 : memref<48xi32, #tpu.memory_space<vmem>>) target_semaphore(%run_scoped3A : memref<!tpu.dma_semaphore, #tpu.memory_space<semaphore_mem>>)
      tpu.wait_dma2 semaphore(%run_scoped3A : memref<!tpu.dma_semaphore, #tpu.memory_space<semaphore_mem>>) src(%arg6 : memref<48xi32, #tpu.memory_space<hbm>>) dst(%arg13 : memref<48xi32, #tpu.memory_space<vmem>>)
      tpu.yield
    }) : () -> ()
    %eq3A = arith.constant 0 : i32
    %eq3A_3 = arith.cmpi eq, %arg1, %eq3A : i32
    %convert_element_type3A = arith.extui %eq3A_3 : i1 to i32
    %cond3A = arith.constant 0 : i32
    %cond3A_4 = arith.cmpi ne, %convert_element_type3A, %cond3A : i32
    scf.if %cond3A_4 {
      "tpu.region"() ({
        %run_scoped3A = tpu.sem_alloc : memref<!tpu.dma_semaphore, #tpu.memory_space<semaphore_mem>>
        %dma_start3A = arith.constant 0 : i32
        %dma_start3A_205 = arith.constant 0 : i32
        %dma_start3A_206 = tpu.memref_slice %arg5[%dma_start3A, %dma_start3A_205] : memref<328x128xf32, #tpu.memory_space<hbm>> -> memref<48x128xf32, #tpu.memory_space<hbm>>
        tpu.enqueue_dma source(%dma_start3A_206 : memref<48x128xf32, #tpu.memory_space<hbm>>) target(%arg15 : memref<48x128xf32, #tpu.memory_space<vmem_shared>>) target_semaphore(%run_scoped3A : memref<!tpu.dma_semaphore, #tpu.memory_space<semaphore_mem>>)
        %dma_wait3A = arith.constant 0 : i32
        %dma_wait3A_207 = arith.constant 0 : i32
        %dma_wait3A_208 = tpu.memref_slice %arg5[%dma_wait3A, %dma_wait3A_207] : memref<328x128xf32, #tpu.memory_space<hbm>> -> memref<48x128xf32, #tpu.memory_space<hbm>>
        tpu.wait_dma2 semaphore(%run_scoped3A : memref<!tpu.dma_semaphore, #tpu.memory_space<semaphore_mem>>) src(%dma_wait3A_208 : memref<48x128xf32, #tpu.memory_space<hbm>>) dst(%arg15 : memref<48x128xf32, #tpu.memory_space<vmem_shared>>)
        tpu.yield
      }) : () -> ()
    } else {
    }
    %mul3A_5 = arith.constant 160 : i32
    %mul3A_6 = arith.muli %arg1, %mul3A_5 : i32
    "tpu.region"() ({
      %run_scoped3A = tpu.sem_alloc : memref<!tpu.dma_semaphore, #tpu.memory_space<semaphore_mem>>
      %dma_start3A = arith.constant 0 : i32
      %dma_start3A_205 = tpu.memref_slice %arg3[%mul3A_6, %dma_start3A] : memref<2560x128xi32, #tpu.memory_space<hbm>> -> memref<160x128xi32, #tpu.memory_space<hbm>>
      %dma_start3A_206 = arith.constant 0 : i32
      %dma_start3A_207 = tpu.memref_slice %arg3[%mul3A_6, %dma_start3A_206] : memref<2560x128xi32, #tpu.memory_space<hbm>> -> memref<160x128xi32, #tpu.memory_space<hbm>>
      tpu.enqueue_dma source(%dma_start3A_207 : memref<160x128xi32, #tpu.memory_space<hbm>>) target(%arg9 : memref<160x128xi32, #tpu.memory_space<vmem>>) target_semaphore(%run_scoped3A : memref<!tpu.dma_semaphore, #tpu.memory_space<semaphore_mem>>)
      %dma_wait3A = arith.constant 0 : i32
      %dma_wait3A_208 = tpu.memref_slice %arg3[%mul3A_6, %dma_wait3A] : memref<2560x128xi32, #tpu.memory_space<hbm>> -> memref<160x128xi32, #tpu.memory_space<hbm>>
      %dma_wait3A_209 = arith.constant 0 : i32
      %dma_wait3A_210 = tpu.memref_slice %arg3[%mul3A_6, %dma_wait3A_209] : memref<2560x128xi32, #tpu.memory_space<hbm>> -> memref<160x128xi32, #tpu.memory_space<hbm>>
      tpu.wait_dma2 semaphore(%run_scoped3A : memref<!tpu.dma_semaphore, #tpu.memory_space<semaphore_mem>>) src(%dma_wait3A_210 : memref<160x128xi32, #tpu.memory_space<hbm>>) dst(%arg9 : memref<160x128xi32, #tpu.memory_space<vmem>>)
      tpu.yield
    }) : () -> ()
    %mul3A_7 = arith.constant 160 : i32
    %mul3A_8 = arith.muli %arg1, %mul3A_7 : i32
    "tpu.region"() ({
      %run_scoped3A = tpu.sem_alloc : memref<!tpu.dma_semaphore, #tpu.memory_space<semaphore_mem>>
      %dma_start3A = arith.constant 0 : i32
      %dma_start3A_205 = tpu.memref_slice %arg4[%mul3A_8, %dma_start3A] : memref<2560x128xi32, #tpu.memory_space<hbm>> -> memref<160x128xi32, #tpu.memory_space<hbm>>
      %dma_start3A_206 = arith.constant 0 : i32
      %dma_start3A_207 = tpu.memref_slice %arg4[%mul3A_8, %dma_start3A_206] : memref<2560x128xi32, #tpu.memory_space<hbm>> -> memref<160x128xi32, #tpu.memory_space<hbm>>
      tpu.enqueue_dma source(%dma_start3A_207 : memref<160x128xi32, #tpu.memory_space<hbm>>) target(%arg10 : memref<160x128xi32, #tpu.memory_space<vmem>>) target_semaphore(%run_scoped3A : memref<!tpu.dma_semaphore, #tpu.memory_space<semaphore_mem>>)
      %dma_wait3A = arith.constant 0 : i32
      %dma_wait3A_208 = tpu.memref_slice %arg4[%mul3A_8, %dma_wait3A] : memref<2560x128xi32, #tpu.memory_space<hbm>> -> memref<160x128xi32, #tpu.memory_space<hbm>>
      %dma_wait3A_209 = arith.constant 0 : i32
      %dma_wait3A_210 = tpu.memref_slice %arg4[%mul3A_8, %dma_wait3A_209] : memref<2560x128xi32, #tpu.memory_space<hbm>> -> memref<160x128xi32, #tpu.memory_space<hbm>>
      tpu.wait_dma2 semaphore(%run_scoped3A : memref<!tpu.dma_semaphore, #tpu.memory_space<semaphore_mem>>) src(%dma_wait3A_210 : memref<160x128xi32, #tpu.memory_space<hbm>>) dst(%arg10 : memref<160x128xi32, #tpu.memory_space<vmem>>)
      tpu.yield
    }) : () -> ()
    %broadcast_in_dim3A = arith.constant 1.000000e+00 : f32
    %broadcast_in_dim3A_9 = vector.broadcast %broadcast_in_dim3A : f32 to vector<16xf32>
    %iota3A = tpu.iota {dimensions = array<i32: 0>} : vector<16xi32>
    %broadcast_in_dim3A_10 = arith.constant 0 : i32
    %broadcast_in_dim3A_11 = vector.broadcast %broadcast_in_dim3A_10 : i32 to vector<16xi32>
    %scan3A = arith.constant 0 : i32
    %scan3A_12 = arith.constant 160 : i32
    %scan3A_13 = arith.addi %scan3A, %scan3A_12 : i32
    %scan3A_14 = arith.constant 1 : i32
    %scan3A_15 = scf.for %scan3A_205 = %scan3A to %scan3A_13 step %scan3A_14 iter_args(%scan3A_206 = %broadcast_in_dim3A_11) -> (vector<16xi32>)  : i32 {
      %get3A = arith.index_cast %scan3A_205 : i32 to index
      %get3A_207 = arith.constant 0 : index
      %get3A_208 = tpu.vector_load %arg9[%get3A, %get3A_207] {strides = array<i32>} : memref<160x128xi32, #tpu.memory_space<vmem>>, vector<16xi32>,
      %get3A_209 = arith.index_cast %scan3A_205 : i32 to index
      %get3A_210 = arith.constant 0 : index
      %get3A_211 = tpu.vector_load %arg10[%get3A_209, %get3A_210] {strides = array<i32>} : memref<160x128xi32, #tpu.memory_space<vmem>>, vector<16xi32>,
      %sub3A_212 = vector.broadcast %mul3A_0 : i32 to vector<16xi32>
      %sub3A_213 = arith.subi %get3A_211, %sub3A_212 : vector<16xi32>
      %ge3A = arith.constant 0 : i32
      %ge3A_214 = vector.broadcast %ge3A : i32 to vector<16xi32>
      %ge3A_215 = arith.cmpi sge, %sub3A_213, %ge3A_214 : vector<16xi32>
      %lt3A_216 = arith.constant 5120 : i32
      %lt3A_217 = vector.broadcast %lt3A_216 : i32 to vector<16xi32>
      %lt3A_218 = arith.cmpi slt, %sub3A_213, %lt3A_217 : vector<16xi32>
      %and3A_219 = arith.andi %ge3A_215, %lt3A_218 : vector<16xi1>
      %lt3A_220 = arith.constant 10000 : i32
      %lt3A_221 = vector.broadcast %lt3A_220 : i32 to vector<16xi32>
      %lt3A_222 = arith.cmpi slt, %get3A_211, %lt3A_221 : vector<16xi32>
      %and3A_223 = arith.andi %and3A_219, %lt3A_222 : vector<16xi1>
      %jit3A_224 = arith.constant 1 : i32
      %jit3A_225 = arith.constant 0 : i32
      %broadcast_in_dim3A_226 = vector.broadcast %jit3A_224 : i32 to vector<16xi32>
      %broadcast_in_dim3A_227 = vector.broadcast %jit3A_225 : i32 to vector<16xi32>
      %select_n3A_228 = arith.select %and3A_223, %broadcast_in_dim3A_226, %broadcast_in_dim3A_227 : vector<16xi1>, vector<16xi32>
      %broadcast_in_dim3A_229 = arith.constant true
      %broadcast_in_dim3A_230 = vector.broadcast %broadcast_in_dim3A_229 : i1 to vector<16xi1>
      %masked_cumsum3A = tpu.scan <sum>, %select_n3A_228 masked %broadcast_in_dim3A_230 : vector<16xi32>, vector<16xi1> -> vector<16xi32>
      %add3A_231 = arith.addi %scan3A_206, %masked_cumsum3A : vector<16xi32>
      %sub3A_232 = arith.subi %add3A_231, %select_n3A_228 : vector<16xi32>
      %shift_right_logical3A_233 = arith.constant 7 : i32
      %shift_right_logical3A_234 = vector.broadcast %shift_right_logical3A_233 : i32 to vector<16xi32>
      %shift_right_logical3A_235 = arith.shrui %sub3A_232, %shift_right_logical3A_234 : vector<16xi32>
      %and3A_236 = arith.constant 127 : i32
      %and3A_237 = vector.broadcast %and3A_236 : i32 to vector<16xi32>
      %and3A_238 = arith.andi %sub3A_232, %and3A_237 : vector<16xi32>
      tpu.vector_store_idx %arg9[%shift_right_logical3A_235, %and3A_238], %get3A_208 masked %and3A_223 : memref<160x128xi32, #tpu.memory_space<vmem>>[vector<16xi32>, vector<16xi32>], vector<16xi32>, vector<16xi1>
      tpu.vector_store_idx %arg10[%shift_right_logical3A_235, %and3A_238], %sub3A_213 masked %and3A_223 : memref<160x128xi32, #tpu.memory_space<vmem>>[vector<16xi32>, vector<16xi32>], vector<16xi32>, vector<16xi1>
      %shift_right_logical3A_239 = arith.constant 7 : i32
      %shift_right_logical3A_240 = vector.broadcast %shift_right_logical3A_239 : i32 to vector<16xi32>
      %shift_right_logical3A_241 = arith.shrui %sub3A_213, %shift_right_logical3A_240 : vector<16xi32>
      %and3A_242 = arith.constant 127 : i32
      %and3A_243 = vector.broadcast %and3A_242 : i32 to vector<16xi32>
      %and3A_244 = arith.andi %sub3A_213, %and3A_243 : vector<16xi32>
      tpu.vector_store_idx %arg12[%shift_right_logical3A_241, %and3A_244], %broadcast_in_dim3A_9 masked %and3A_223 {add = true} : memref<48x128xf32, #tpu.memory_space<vmem>>[vector<16xi32>, vector<16xi32>], vector<16xf32>, vector<16xi1>
      %broadcast_in_dim3A_245 = arith.constant 15 : i32
      %broadcast_in_dim3A_246 = vector.broadcast %broadcast_in_dim3A_245 : i32 to vector<16xi32>
      %lt3A_247 = arith.constant 0 : i32
      %lt3A_248 = vector.broadcast %lt3A_247 : i32 to vector<16xi32>
      %lt3A_249 = arith.cmpi slt, %broadcast_in_dim3A_246, %lt3A_248 : vector<16xi32>
      %add3A_250 = arith.constant 16 : i32
      %add3A_251 = vector.broadcast %add3A_250 : i32 to vector<16xi32>
      %add3A_252 = arith.addi %broadcast_in_dim3A_246, %add3A_251 : vector<16xi32>
      %select_n3A_253 = arith.select %lt3A_249, %add3A_252, %broadcast_in_dim3A_246 : vector<16xi1>, vector<16xi32>
      %broadcast_in_dim3A_254 = vector.shape_cast %select_n3A_253 : vector<16xi32> to vector<16x1xi32>
      %gather3A = vector.shape_cast %broadcast_in_dim3A_254 : vector<16x1xi32> to vector<16xi32>
      %gather3A_255 = tpu.dynamic_gather %masked_cumsum3A[%gather3A] in [0] : vector<16xi32>, vector<16xi32> -> vector<16xi32>
      %add3A_256 = arith.addi %scan3A_206, %gather3A_255 : vector<16xi32>
      %get3A_257 = arith.index_cast %scan3A_205 : i32 to index
      %get3A_258 = arith.constant 16 : index
      %get3A_259 = tpu.vector_load %arg9[%get3A_257, %get3A_258] {strides = array<i32>} : memref<160x128xi32, #tpu.memory_space<vmem>>, vector<16xi32>,
      %get3A_260 = arith.index_cast %scan3A_205 : i32 to index
      %get3A_261 = arith.constant 16 : index
      %get3A_262 = tpu.vector_load %arg10[%get3A_260, %get3A_261] {strides = array<i32>} : memref<160x128xi32, #tpu.memory_space<vmem>>, vector<16xi32>,
      %sub3A_263 = vector.broadcast %mul3A_0 : i32 to vector<16xi32>
      %sub3A_264 = arith.subi %get3A_262, %sub3A_263 : vector<16xi32>
      %ge3A_265 = arith.constant 0 : i32
      %ge3A_266 = vector.broadcast %ge3A_265 : i32 to vector<16xi32>
      %ge3A_267 = arith.cmpi sge, %sub3A_264, %ge3A_266 : vector<16xi32>
      %lt3A_268 = arith.constant 5120 : i32
      %lt3A_269 = vector.broadcast %lt3A_268 : i32 to vector<16xi32>
      %lt3A_270 = arith.cmpi slt, %sub3A_264, %lt3A_269 : vector<16xi32>
      %and3A_271 = arith.andi %ge3A_267, %lt3A_270 : vector<16xi1>
      %lt3A_272 = arith.constant 10000 : i32
      %lt3A_273 = vector.broadcast %lt3A_272 : i32 to vector<16xi32>
      %lt3A_274 = arith.cmpi slt, %get3A_262, %lt3A_273 : vector<16xi32>
      %and3A_275 = arith.andi %and3A_271, %lt3A_274 : vector<16xi1>
      %jit3A_276 = arith.constant 1 : i32
      %jit3A_277 = arith.constant 0 : i32
      %broadcast_in_dim3A_278 = vector.broadcast %jit3A_276 : i32 to vector<16xi32>
      %broadcast_in_dim3A_279 = vector.broadcast %jit3A_277 : i32 to vector<16xi32>
      %select_n3A_280 = arith.select %and3A_275, %broadcast_in_dim3A_278, %broadcast_in_dim3A_279 : vector<16xi1>, vector<16xi32>
      %broadcast_in_dim3A_281 = arith.constant true
      %broadcast_in_dim3A_282 = vector.broadcast %broadcast_in_dim3A_281 : i1 to vector<16xi1>
      %masked_cumsum3A_283 = tpu.scan <sum>, %select_n3A_280 masked %broadcast_in_dim3A_282 : vector<16xi32>, vector<16xi1> -> vector<16xi32>
      %add3A_284 = arith.addi %add3A_256, %masked_cumsum3A_283 : vector<16xi32>
      %sub3A_285 = arith.subi %add3A_284, %select_n3A_280 : vector<16xi32>
      %shift_right_logical3A_286 = arith.constant 7 : i32
      %shift_right_logical3A_287 = vector.broadcast %shift_right_logical3A_286 : i32 to vector<16xi32>
      %shift_right_logical3A_288 = arith.shrui %sub3A_285, %shift_right_logical3A_287 : vector<16xi32>
      %and3A_289 = arith.constant 127 : i32
      %and3A_290 = vector.broadcast %and3A_289 : i32 to vector<16xi32>
      %and3A_291 = arith.andi %sub3A_285, %and3A_290 : vector<16xi32>
      tpu.vector_store_idx %arg9[%shift_right_logical3A_288, %and3A_291], %get3A_259 masked %and3A_275 : memref<160x128xi32, #tpu.memory_space<vmem>>[vector<16xi32>, vector<16xi32>], vector<16xi32>, vector<16xi1>
      tpu.vector_store_idx %arg10[%shift_right_logical3A_288, %and3A_291], %sub3A_264 masked %and3A_275 : memref<160x128xi32, #tpu.memory_space<vmem>>[vector<16xi32>, vector<16xi32>], vector<16xi32>, vector<16xi1>
      %shift_right_logical3A_292 = arith.constant 7 : i32
      %shift_right_logical3A_293 = vector.broadcast %shift_right_logical3A_292 : i32 to vector<16xi32>
      %shift_right_logical3A_294 = arith.shrui %sub3A_264, %shift_right_logical3A_293 : vector<16xi32>
      %and3A_295 = arith.constant 127 : i32
      %and3A_296 = vector.broadcast %and3A_295 : i32 to vector<16xi32>
      %and3A_297 = arith.andi %sub3A_264, %and3A_296 : vector<16xi32>
      tpu.vector_store_idx %arg12[%shift_right_logical3A_294, %and3A_297], %broadcast_in_dim3A_9 masked %and3A_275 {add = true} : memref<48x128xf32, #tpu.memory_space<vmem>>[vector<16xi32>, vector<16xi32>], vector<16xf32>, vector<16xi1>
      %broadcast_in_dim3A_298 = arith.constant 15 : i32
      %broadcast_in_dim3A_299 = vector.broadcast %broadcast_in_dim3A_298 : i32 to vector<16xi32>
      %lt3A_300 = arith.constant 0 : i32
      %lt3A_301 = vector.broadcast %lt3A_300 : i32 to vector<16xi32>
      %lt3A_302 = arith.cmpi slt, %broadcast_in_dim3A_299, %lt3A_301 : vector<16xi32>
      %add3A_303 = arith.constant 16 : i32
      %add3A_304 = vector.broadcast %add3A_303 : i32 to vector<16xi32>
      %add3A_305 = arith.addi %broadcast_in_dim3A_299, %add3A_304 : vector<16xi32>
      %select_n3A_306 = arith.select %lt3A_302, %add3A_305, %broadcast_in_dim3A_299 : vector<16xi1>, vector<16xi32>
      %broadcast_in_dim3A_307 = vector.shape_cast %select_n3A_306 : vector<16xi32> to vector<16x1xi32>
      %gather3A_308 = vector.shape_cast %broadcast_in_dim3A_307 : vector<16x1xi32> to vector<16xi32>
      %gather3A_309 = tpu.dynamic_gather %masked_cumsum3A_283[%gather3A_308] in [0] : vector<16xi32>, vector<16xi32> -> vector<16xi32>
      %add3A_310 = arith.addi %add3A_256, %gather3A_309 : vector<16xi32>
      %get3A_311 = arith.index_cast %scan3A_205 : i32 to index
      %get3A_312 = arith.constant 32 : index
      %get3A_313 = tpu.vector_load %arg9[%get3A_311, %get3A_312] {strides = array<i32>} : memref<160x128xi32, #tpu.memory_space<vmem>>, vector<16xi32>,
      %get3A_314 = arith.index_cast %scan3A_205 : i32 to index
      %get3A_315 = arith.constant 32 : index
      %get3A_316 = tpu.vector_load %arg10[%get3A_314, %get3A_315] {strides = array<i32>} : memref<160x128xi32, #tpu.memory_space<vmem>>, vector<16xi32>,
      %sub3A_317 = vector.broadcast %mul3A_0 : i32 to vector<16xi32>
      %sub3A_318 = arith.subi %get3A_316, %sub3A_317 : vector<16xi32>
      %ge3A_319 = arith.constant 0 : i32
      %ge3A_320 = vector.broadcast %ge3A_319 : i32 to vector<16xi32>
      %ge3A_321 = arith.cmpi sge, %sub3A_318, %ge3A_320 : vector<16xi32>
      %lt3A_322 = arith.constant 5120 : i32
      %lt3A_323 = vector.broadcast %lt3A_322 : i32 to vector<16xi32>
      %lt3A_324 = arith.cmpi slt, %sub3A_318, %lt3A_323 : vector<16xi32>
      %and3A_325 = arith.andi %ge3A_321, %lt3A_324 : vector<16xi1>
      %lt3A_326 = arith.constant 10000 : i32
      %lt3A_327 = vector.broadcast %lt3A_326 : i32 to vector<16xi32>
      %lt3A_328 = arith.cmpi slt, %get3A_316, %lt3A_327 : vector<16xi32>
      %and3A_329 = arith.andi %and3A_325, %lt3A_328 : vector<16xi1>
      %jit3A_330 = arith.constant 1 : i32
      %jit3A_331 = arith.constant 0 : i32
      %broadcast_in_dim3A_332 = vector.broadcast %jit3A_330 : i32 to vector<16xi32>
      %broadcast_in_dim3A_333 = vector.broadcast %jit3A_331 : i32 to vector<16xi32>
      %select_n3A_334 = arith.select %and3A_329, %broadcast_in_dim3A_332, %broadcast_in_dim3A_333 : vector<16xi1>, vector<16xi32>
      %broadcast_in_dim3A_335 = arith.constant true
      %broadcast_in_dim3A_336 = vector.broadcast %broadcast_in_dim3A_335 : i1 to vector<16xi1>
      %masked_cumsum3A_337 = tpu.scan <sum>, %select_n3A_334 masked %broadcast_in_dim3A_336 : vector<16xi32>, vector<16xi1> -> vector<16xi32>
      %add3A_338 = arith.addi %add3A_310, %masked_cumsum3A_337 : vector<16xi32>
      %sub3A_339 = arith.subi %add3A_338, %select_n3A_334 : vector<16xi32>
      %shift_right_logical3A_340 = arith.constant 7 : i32
      %shift_right_logical3A_341 = vector.broadcast %shift_right_logical3A_340 : i32 to vector<16xi32>
      %shift_right_logical3A_342 = arith.shrui %sub3A_339, %shift_right_logical3A_341 : vector<16xi32>
      %and3A_343 = arith.constant 127 : i32
      %and3A_344 = vector.broadcast %and3A_343 : i32 to vector<16xi32>
      %and3A_345 = arith.andi %sub3A_339, %and3A_344 : vector<16xi32>
      tpu.vector_store_idx %arg9[%shift_right_logical3A_342, %and3A_345], %get3A_313 masked %and3A_329 : memref<160x128xi32, #tpu.memory_space<vmem>>[vector<16xi32>, vector<16xi32>], vector<16xi32>, vector<16xi1>
      tpu.vector_store_idx %arg10[%shift_right_logical3A_342, %and3A_345], %sub3A_318 masked %and3A_329 : memref<160x128xi32, #tpu.memory_space<vmem>>[vector<16xi32>, vector<16xi32>], vector<16xi32>, vector<16xi1>
      %shift_right_logical3A_346 = arith.constant 7 : i32
      %shift_right_logical3A_347 = vector.broadcast %shift_right_logical3A_346 : i32 to vector<16xi32>
      %shift_right_logical3A_348 = arith.shrui %sub3A_318, %shift_right_logical3A_347 : vector<16xi32>
      %and3A_349 = arith.constant 127 : i32
      %and3A_350 = vector.broadcast %and3A_349 : i32 to vector<16xi32>
      %and3A_351 = arith.andi %sub3A_318, %and3A_350 : vector<16xi32>
      tpu.vector_store_idx %arg12[%shift_right_logical3A_348, %and3A_351], %broadcast_in_dim3A_9 masked %and3A_329 {add = true} : memref<48x128xf32, #tpu.memory_space<vmem>>[vector<16xi32>, vector<16xi32>], vector<16xf32>, vector<16xi1>
      %broadcast_in_dim3A_352 = arith.constant 15 : i32
      %broadcast_in_dim3A_353 = vector.broadcast %broadcast_in_dim3A_352 : i32 to vector<16xi32>
      %lt3A_354 = arith.constant 0 : i32
      %lt3A_355 = vector.broadcast %lt3A_354 : i32 to vector<16xi32>
      %lt3A_356 = arith.cmpi slt, %broadcast_in_dim3A_353, %lt3A_355 : vector<16xi32>
      %add3A_357 = arith.constant 16 : i32
      %add3A_358 = vector.broadcast %add3A_357 : i32 to vector<16xi32>
      %add3A_359 = arith.addi %broadcast_in_dim3A_353, %add3A_358 : vector<16xi32>
      %select_n3A_360 = arith.select %lt3A_356, %add3A_359, %broadcast_in_dim3A_353 : vector<16xi1>, vector<16xi32>
      %broadcast_in_dim3A_361 = vector.shape_cast %select_n3A_360 : vector<16xi32> to vector<16x1xi32>
      %gather3A_362 = vector.shape_cast %broadcast_in_dim3A_361 : vector<16x1xi32> to vector<16xi32>
      %gather3A_363 = tpu.dynamic_gather %masked_cumsum3A_337[%gather3A_362] in [0] : vector<16xi32>, vector<16xi32> -> vector<16xi32>
      %add3A_364 = arith.addi %add3A_310, %gather3A_363 : vector<16xi32>
      %get3A_365 = arith.index_cast %scan3A_205 : i32 to index
      %get3A_366 = arith.constant 48 : index
      %get3A_367 = tpu.vector_load %arg9[%get3A_365, %get3A_366] {strides = array<i32>} : memref<160x128xi32, #tpu.memory_space<vmem>>, vector<16xi32>,
      %get3A_368 = arith.index_cast %scan3A_205 : i32 to index
      %get3A_369 = arith.constant 48 : index
      %get3A_370 = tpu.vector_load %arg10[%get3A_368, %get3A_369] {strides = array<i32>} : memref<160x128xi32, #tpu.memory_space<vmem>>, vector<16xi32>,
      %sub3A_371 = vector.broadcast %mul3A_0 : i32 to vector<16xi32>
      %sub3A_372 = arith.subi %get3A_370, %sub3A_371 : vector<16xi32>
      %ge3A_373 = arith.constant 0 : i32
      %ge3A_374 = vector.broadcast %ge3A_373 : i32 to vector<16xi32>
      %ge3A_375 = arith.cmpi sge, %sub3A_372, %ge3A_374 : vector<16xi32>
      %lt3A_376 = arith.constant 5120 : i32
      %lt3A_377 = vector.broadcast %lt3A_376 : i32 to vector<16xi32>
      %lt3A_378 = arith.cmpi slt, %sub3A_372, %lt3A_377 : vector<16xi32>
      %and3A_379 = arith.andi %ge3A_375, %lt3A_378 : vector<16xi1>
      %lt3A_380 = arith.constant 10000 : i32
      %lt3A_381 = vector.broadcast %lt3A_380 : i32 to vector<16xi32>
      %lt3A_382 = arith.cmpi slt, %get3A_370, %lt3A_381 : vector<16xi32>
      %and3A_383 = arith.andi %and3A_379, %lt3A_382 : vector<16xi1>
      %jit3A_384 = arith.constant 1 : i32
      %jit3A_385 = arith.constant 0 : i32
      %broadcast_in_dim3A_386 = vector.broadcast %jit3A_384 : i32 to vector<16xi32>
      %broadcast_in_dim3A_387 = vector.broadcast %jit3A_385 : i32 to vector<16xi32>
      %select_n3A_388 = arith.select %and3A_383, %broadcast_in_dim3A_386, %broadcast_in_dim3A_387 : vector<16xi1>, vector<16xi32>
      %broadcast_in_dim3A_389 = arith.constant true
      %broadcast_in_dim3A_390 = vector.broadcast %broadcast_in_dim3A_389 : i1 to vector<16xi1>
      %masked_cumsum3A_391 = tpu.scan <sum>, %select_n3A_388 masked %broadcast_in_dim3A_390 : vector<16xi32>, vector<16xi1> -> vector<16xi32>
      %add3A_392 = arith.addi %add3A_364, %masked_cumsum3A_391 : vector<16xi32>
      %sub3A_393 = arith.subi %add3A_392, %select_n3A_388 : vector<16xi32>
      %shift_right_logical3A_394 = arith.constant 7 : i32
      %shift_right_logical3A_395 = vector.broadcast %shift_right_logical3A_394 : i32 to vector<16xi32>
      %shift_right_logical3A_396 = arith.shrui %sub3A_393, %shift_right_logical3A_395 : vector<16xi32>
      %and3A_397 = arith.constant 127 : i32
      %and3A_398 = vector.broadcast %and3A_397 : i32 to vector<16xi32>
      %and3A_399 = arith.andi %sub3A_393, %and3A_398 : vector<16xi32>
      tpu.vector_store_idx %arg9[%shift_right_logical3A_396, %and3A_399], %get3A_367 masked %and3A_383 : memref<160x128xi32, #tpu.memory_space<vmem>>[vector<16xi32>, vector<16xi32>], vector<16xi32>, vector<16xi1>
      tpu.vector_store_idx %arg10[%shift_right_logical3A_396, %and3A_399], %sub3A_372 masked %and3A_383 : memref<160x128xi32, #tpu.memory_space<vmem>>[vector<16xi32>, vector<16xi32>], vector<16xi32>, vector<16xi1>
      %shift_right_logical3A_400 = arith.constant 7 : i32
      %shift_right_logical3A_401 = vector.broadcast %shift_right_logical3A_400 : i32 to vector<16xi32>
      %shift_right_logical3A_402 = arith.shrui %sub3A_372, %shift_right_logical3A_401 : vector<16xi32>
      %and3A_403 = arith.constant 127 : i32
      %and3A_404 = vector.broadcast %and3A_403 : i32 to vector<16xi32>
      %and3A_405 = arith.andi %sub3A_372, %and3A_404 : vector<16xi32>
      tpu.vector_store_idx %arg12[%shift_right_logical3A_402, %and3A_405], %broadcast_in_dim3A_9 masked %and3A_383 {add = true} : memref<48x128xf32, #tpu.memory_space<vmem>>[vector<16xi32>, vector<16xi32>], vector<16xf32>, vector<16xi1>
      %broadcast_in_dim3A_406 = arith.constant 15 : i32
      %broadcast_in_dim3A_407 = vector.broadcast %broadcast_in_dim3A_406 : i32 to vector<16xi32>
      %lt3A_408 = arith.constant 0 : i32
      %lt3A_409 = vector.broadcast %lt3A_408 : i32 to vector<16xi32>
      %lt3A_410 = arith.cmpi slt, %broadcast_in_dim3A_407, %lt3A_409 : vector<16xi32>
      %add3A_411 = arith.constant 16 : i32
      %add3A_412 = vector.broadcast %add3A_411 : i32 to vector<16xi32>
      %add3A_413 = arith.addi %broadcast_in_dim3A_407, %add3A_412 : vector<16xi32>
      %select_n3A_414 = arith.select %lt3A_410, %add3A_413, %broadcast_in_dim3A_407 : vector<16xi1>, vector<16xi32>
      %broadcast_in_dim3A_415 = vector.shape_cast %select_n3A_414 : vector<16xi32> to vector<16x1xi32>
      %gather3A_416 = vector.shape_cast %broadcast_in_dim3A_415 : vector<16x1xi32> to vector<16xi32>
      %gather3A_417 = tpu.dynamic_gather %masked_cumsum3A_391[%gather3A_416] in [0] : vector<16xi32>, vector<16xi32> -> vector<16xi32>
      %add3A_418 = arith.addi %add3A_364, %gather3A_417 : vector<16xi32>
      %get3A_419 = arith.index_cast %scan3A_205 : i32 to index
      %get3A_420 = arith.constant 64 : index
      %get3A_421 = tpu.vector_load %arg9[%get3A_419, %get3A_420] {strides = array<i32>} : memref<160x128xi32, #tpu.memory_space<vmem>>, vector<16xi32>,
      %get3A_422 = arith.index_cast %scan3A_205 : i32 to index
      %get3A_423 = arith.constant 64 : index
      %get3A_424 = tpu.vector_load %arg10[%get3A_422, %get3A_423] {strides = array<i32>} : memref<160x128xi32, #tpu.memory_space<vmem>>, vector<16xi32>,
      %sub3A_425 = vector.broadcast %mul3A_0 : i32 to vector<16xi32>
      %sub3A_426 = arith.subi %get3A_424, %sub3A_425 : vector<16xi32>
      %ge3A_427 = arith.constant 0 : i32
      %ge3A_428 = vector.broadcast %ge3A_427 : i32 to vector<16xi32>
      %ge3A_429 = arith.cmpi sge, %sub3A_426, %ge3A_428 : vector<16xi32>
      %lt3A_430 = arith.constant 5120 : i32
      %lt3A_431 = vector.broadcast %lt3A_430 : i32 to vector<16xi32>
      %lt3A_432 = arith.cmpi slt, %sub3A_426, %lt3A_431 : vector<16xi32>
      %and3A_433 = arith.andi %ge3A_429, %lt3A_432 : vector<16xi1>
      %lt3A_434 = arith.constant 10000 : i32
      %lt3A_435 = vector.broadcast %lt3A_434 : i32 to vector<16xi32>
      %lt3A_436 = arith.cmpi slt, %get3A_424, %lt3A_435 : vector<16xi32>
      %and3A_437 = arith.andi %and3A_433, %lt3A_436 : vector<16xi1>
      %jit3A_438 = arith.constant 1 : i32
      %jit3A_439 = arith.constant 0 : i32
      %broadcast_in_dim3A_440 = vector.broadcast %jit3A_438 : i32 to vector<16xi32>
      %broadcast_in_dim3A_441 = vector.broadcast %jit3A_439 : i32 to vector<16xi32>
      %select_n3A_442 = arith.select %and3A_437, %broadcast_in_dim3A_440, %broadcast_in_dim3A_441 : vector<16xi1>, vector<16xi32>
      %broadcast_in_dim3A_443 = arith.constant true
      %broadcast_in_dim3A_444 = vector.broadcast %broadcast_in_dim3A_443 : i1 to vector<16xi1>
      %masked_cumsum3A_445 = tpu.scan <sum>, %select_n3A_442 masked %broadcast_in_dim3A_444 : vector<16xi32>, vector<16xi1> -> vector<16xi32>
      %add3A_446 = arith.addi %add3A_418, %masked_cumsum3A_445 : vector<16xi32>
      %sub3A_447 = arith.subi %add3A_446, %select_n3A_442 : vector<16xi32>
      %shift_right_logical3A_448 = arith.constant 7 : i32
      %shift_right_logical3A_449 = vector.broadcast %shift_right_logical3A_448 : i32 to vector<16xi32>
      %shift_right_logical3A_450 = arith.shrui %sub3A_447, %shift_right_logical3A_449 : vector<16xi32>
      %and3A_451 = arith.constant 127 : i32
      %and3A_452 = vector.broadcast %and3A_451 : i32 to vector<16xi32>
      %and3A_453 = arith.andi %sub3A_447, %and3A_452 : vector<16xi32>
      tpu.vector_store_idx %arg9[%shift_right_logical3A_450, %and3A_453], %get3A_421 masked %and3A_437 : memref<160x128xi32, #tpu.memory_space<vmem>>[vector<16xi32>, vector<16xi32>], vector<16xi32>, vector<16xi1>
      tpu.vector_store_idx %arg10[%shift_right_logical3A_450, %and3A_453], %sub3A_426 masked %and3A_437 : memref<160x128xi32, #tpu.memory_space<vmem>>[vector<16xi32>, vector<16xi32>], vector<16xi32>, vector<16xi1>
      %shift_right_logical3A_454 = arith.constant 7 : i32
      %shift_right_logical3A_455 = vector.broadcast %shift_right_logical3A_454 : i32 to vector<16xi32>
      %shift_right_logical3A_456 = arith.shrui %sub3A_426, %shift_right_logical3A_455 : vector<16xi32>
      %and3A_457 = arith.constant 127 : i32
      %and3A_458 = vector.broadcast %and3A_457 : i32 to vector<16xi32>
      %and3A_459 = arith.andi %sub3A_426, %and3A_458 : vector<16xi32>
      tpu.vector_store_idx %arg12[%shift_right_logical3A_456, %and3A_459], %broadcast_in_dim3A_9 masked %and3A_437 {add = true} : memref<48x128xf32, #tpu.memory_space<vmem>>[vector<16xi32>, vector<16xi32>], vector<16xf32>, vector<16xi1>
      %broadcast_in_dim3A_460 = arith.constant 15 : i32
      %broadcast_in_dim3A_461 = vector.broadcast %broadcast_in_dim3A_460 : i32 to vector<16xi32>
      %lt3A_462 = arith.constant 0 : i32
      %lt3A_463 = vector.broadcast %lt3A_462 : i32 to vector<16xi32>
      %lt3A_464 = arith.cmpi slt, %broadcast_in_dim3A_461, %lt3A_463 : vector<16xi32>
      %add3A_465 = arith.constant 16 : i32
      %add3A_466 = vector.broadcast %add3A_465 : i32 to vector<16xi32>
      %add3A_467 = arith.addi %broadcast_in_dim3A_461, %add3A_466 : vector<16xi32>
      %select_n3A_468 = arith.select %lt3A_464, %add3A_467, %broadcast_in_dim3A_461 : vector<16xi1>, vector<16xi32>
      %broadcast_in_dim3A_469 = vector.shape_cast %select_n3A_468 : vector<16xi32> to vector<16x1xi32>
      %gather3A_470 = vector.shape_cast %broadcast_in_dim3A_469 : vector<16x1xi32> to vector<16xi32>
      %gather3A_471 = tpu.dynamic_gather %masked_cumsum3A_445[%gather3A_470] in [0] : vector<16xi32>, vector<16xi32> -> vector<16xi32>
      %add3A_472 = arith.addi %add3A_418, %gather3A_471 : vector<16xi32>
      %get3A_473 = arith.index_cast %scan3A_205 : i32 to index
      %get3A_474 = arith.constant 80 : index
      %get3A_475 = tpu.vector_load %arg9[%get3A_473, %get3A_474] {strides = array<i32>} : memref<160x128xi32, #tpu.memory_space<vmem>>, vector<16xi32>,
      %get3A_476 = arith.index_cast %scan3A_205 : i32 to index
      %get3A_477 = arith.constant 80 : index
      %get3A_478 = tpu.vector_load %arg10[%get3A_476, %get3A_477] {strides = array<i32>} : memref<160x128xi32, #tpu.memory_space<vmem>>, vector<16xi32>,
      %sub3A_479 = vector.broadcast %mul3A_0 : i32 to vector<16xi32>
      %sub3A_480 = arith.subi %get3A_478, %sub3A_479 : vector<16xi32>
      %ge3A_481 = arith.constant 0 : i32
      %ge3A_482 = vector.broadcast %ge3A_481 : i32 to vector<16xi32>
      %ge3A_483 = arith.cmpi sge, %sub3A_480, %ge3A_482 : vector<16xi32>
      %lt3A_484 = arith.constant 5120 : i32
      %lt3A_485 = vector.broadcast %lt3A_484 : i32 to vector<16xi32>
      %lt3A_486 = arith.cmpi slt, %sub3A_480, %lt3A_485 : vector<16xi32>
      %and3A_487 = arith.andi %ge3A_483, %lt3A_486 : vector<16xi1>
      %lt3A_488 = arith.constant 10000 : i32
      %lt3A_489 = vector.broadcast %lt3A_488 : i32 to vector<16xi32>
      %lt3A_490 = arith.cmpi slt, %get3A_478, %lt3A_489 : vector<16xi32>
      %and3A_491 = arith.andi %and3A_487, %lt3A_490 : vector<16xi1>
      %jit3A_492 = arith.constant 1 : i32
      %jit3A_493 = arith.constant 0 : i32
      %broadcast_in_dim3A_494 = vector.broadcast %jit3A_492 : i32 to vector<16xi32>
      %broadcast_in_dim3A_495 = vector.broadcast %jit3A_493 : i32 to vector<16xi32>
      %select_n3A_496 = arith.select %and3A_491, %broadcast_in_dim3A_494, %broadcast_in_dim3A_495 : vector<16xi1>, vector<16xi32>
      %broadcast_in_dim3A_497 = arith.constant true
      %broadcast_in_dim3A_498 = vector.broadcast %broadcast_in_dim3A_497 : i1 to vector<16xi1>
      %masked_cumsum3A_499 = tpu.scan <sum>, %select_n3A_496 masked %broadcast_in_dim3A_498 : vector<16xi32>, vector<16xi1> -> vector<16xi32>
      %add3A_500 = arith.addi %add3A_472, %masked_cumsum3A_499 : vector<16xi32>
      %sub3A_501 = arith.subi %add3A_500, %select_n3A_496 : vector<16xi32>
      %shift_right_logical3A_502 = arith.constant 7 : i32
      %shift_right_logical3A_503 = vector.broadcast %shift_right_logical3A_502 : i32 to vector<16xi32>
      %shift_right_logical3A_504 = arith.shrui %sub3A_501, %shift_right_logical3A_503 : vector<16xi32>
      %and3A_505 = arith.constant 127 : i32
      %and3A_506 = vector.broadcast %and3A_505 : i32 to vector<16xi32>
      %and3A_507 = arith.andi %sub3A_501, %and3A_506 : vector<16xi32>
      tpu.vector_store_idx %arg9[%shift_right_logical3A_504, %and3A_507], %get3A_475 masked %and3A_491 : memref<160x128xi32, #tpu.memory_space<vmem>>[vector<16xi32>, vector<16xi32>], vector<16xi32>, vector<16xi1>
      tpu.vector_store_idx %arg10[%shift_right_logical3A_504, %and3A_507], %sub3A_480 masked %and3A_491 : memref<160x128xi32, #tpu.memory_space<vmem>>[vector<16xi32>, vector<16xi32>], vector<16xi32>, vector<16xi1>
      %shift_right_logical3A_508 = arith.constant 7 : i32
      %shift_right_logical3A_509 = vector.broadcast %shift_right_logical3A_508 : i32 to vector<16xi32>
      %shift_right_logical3A_510 = arith.shrui %sub3A_480, %shift_right_logical3A_509 : vector<16xi32>
      %and3A_511 = arith.constant 127 : i32
      %and3A_512 = vector.broadcast %and3A_511 : i32 to vector<16xi32>
      %and3A_513 = arith.andi %sub3A_480, %and3A_512 : vector<16xi32>
      tpu.vector_store_idx %arg12[%shift_right_logical3A_510, %and3A_513], %broadcast_in_dim3A_9 masked %and3A_491 {add = true} : memref<48x128xf32, #tpu.memory_space<vmem>>[vector<16xi32>, vector<16xi32>], vector<16xf32>, vector<16xi1>
      %broadcast_in_dim3A_514 = arith.constant 15 : i32
      %broadcast_in_dim3A_515 = vector.broadcast %broadcast_in_dim3A_514 : i32 to vector<16xi32>
      %lt3A_516 = arith.constant 0 : i32
      %lt3A_517 = vector.broadcast %lt3A_516 : i32 to vector<16xi32>
      %lt3A_518 = arith.cmpi slt, %broadcast_in_dim3A_515, %lt3A_517 : vector<16xi32>
      %add3A_519 = arith.constant 16 : i32
      %add3A_520 = vector.broadcast %add3A_519 : i32 to vector<16xi32>
      %add3A_521 = arith.addi %broadcast_in_dim3A_515, %add3A_520 : vector<16xi32>
      %select_n3A_522 = arith.select %lt3A_518, %add3A_521, %broadcast_in_dim3A_515 : vector<16xi1>, vector<16xi32>
      %broadcast_in_dim3A_523 = vector.shape_cast %select_n3A_522 : vector<16xi32> to vector<16x1xi32>
      %gather3A_524 = vector.shape_cast %broadcast_in_dim3A_523 : vector<16x1xi32> to vector<16xi32>
      %gather3A_525 = tpu.dynamic_gather %masked_cumsum3A_499[%gather3A_524] in [0] : vector<16xi32>, vector<16xi32> -> vector<16xi32>
      %add3A_526 = arith.addi %add3A_472, %gather3A_525 : vector<16xi32>
      %get3A_527 = arith.index_cast %scan3A_205 : i32 to index
      %get3A_528 = arith.constant 96 : index
      %get3A_529 = tpu.vector_load %arg9[%get3A_527, %get3A_528] {strides = array<i32>} : memref<160x128xi32, #tpu.memory_space<vmem>>, vector<16xi32>,
      %get3A_530 = arith.index_cast %scan3A_205 : i32 to index
      %get3A_531 = arith.constant 96 : index
      %get3A_532 = tpu.vector_load %arg10[%get3A_530, %get3A_531] {strides = array<i32>} : memref<160x128xi32, #tpu.memory_space<vmem>>, vector<16xi32>,
      %sub3A_533 = vector.broadcast %mul3A_0 : i32 to vector<16xi32>
      %sub3A_534 = arith.subi %get3A_532, %sub3A_533 : vector<16xi32>
      %ge3A_535 = arith.constant 0 : i32
      %ge3A_536 = vector.broadcast %ge3A_535 : i32 to vector<16xi32>
      %ge3A_537 = arith.cmpi sge, %sub3A_534, %ge3A_536 : vector<16xi32>
      %lt3A_538 = arith.constant 5120 : i32
      %lt3A_539 = vector.broadcast %lt3A_538 : i32 to vector<16xi32>
      %lt3A_540 = arith.cmpi slt, %sub3A_534, %lt3A_539 : vector<16xi32>
      %and3A_541 = arith.andi %ge3A_537, %lt3A_540 : vector<16xi1>
      %lt3A_542 = arith.constant 10000 : i32
      %lt3A_543 = vector.broadcast %lt3A_542 : i32 to vector<16xi32>
      %lt3A_544 = arith.cmpi slt, %get3A_532, %lt3A_543 : vector<16xi32>
      %and3A_545 = arith.andi %and3A_541, %lt3A_544 : vector<16xi1>
      %jit3A_546 = arith.constant 1 : i32
      %jit3A_547 = arith.constant 0 : i32
      %broadcast_in_dim3A_548 = vector.broadcast %jit3A_546 : i32 to vector<16xi32>
      %broadcast_in_dim3A_549 = vector.broadcast %jit3A_547 : i32 to vector<16xi32>
      %select_n3A_550 = arith.select %and3A_545, %broadcast_in_dim3A_548, %broadcast_in_dim3A_549 : vector<16xi1>, vector<16xi32>
      %broadcast_in_dim3A_551 = arith.constant true
      %broadcast_in_dim3A_552 = vector.broadcast %broadcast_in_dim3A_551 : i1 to vector<16xi1>
      %masked_cumsum3A_553 = tpu.scan <sum>, %select_n3A_550 masked %broadcast_in_dim3A_552 : vector<16xi32>, vector<16xi1> -> vector<16xi32>
      %add3A_554 = arith.addi %add3A_526, %masked_cumsum3A_553 : vector<16xi32>
      %sub3A_555 = arith.subi %add3A_554, %select_n3A_550 : vector<16xi32>
      %shift_right_logical3A_556 = arith.constant 7 : i32
      %shift_right_logical3A_557 = vector.broadcast %shift_right_logical3A_556 : i32 to vector<16xi32>
      %shift_right_logical3A_558 = arith.shrui %sub3A_555, %shift_right_logical3A_557 : vector<16xi32>
      %and3A_559 = arith.constant 127 : i32
      %and3A_560 = vector.broadcast %and3A_559 : i32 to vector<16xi32>
      %and3A_561 = arith.andi %sub3A_555, %and3A_560 : vector<16xi32>
      tpu.vector_store_idx %arg9[%shift_right_logical3A_558, %and3A_561], %get3A_529 masked %and3A_545 : memref<160x128xi32, #tpu.memory_space<vmem>>[vector<16xi32>, vector<16xi32>], vector<16xi32>, vector<16xi1>
      tpu.vector_store_idx %arg10[%shift_right_logical3A_558, %and3A_561], %sub3A_534 masked %and3A_545 : memref<160x128xi32, #tpu.memory_space<vmem>>[vector<16xi32>, vector<16xi32>], vector<16xi32>, vector<16xi1>
      %shift_right_logical3A_562 = arith.constant 7 : i32
      %shift_right_logical3A_563 = vector.broadcast %shift_right_logical3A_562 : i32 to vector<16xi32>
      %shift_right_logical3A_564 = arith.shrui %sub3A_534, %shift_right_logical3A_563 : vector<16xi32>
      %and3A_565 = arith.constant 127 : i32
      %and3A_566 = vector.broadcast %and3A_565 : i32 to vector<16xi32>
      %and3A_567 = arith.andi %sub3A_534, %and3A_566 : vector<16xi32>
      tpu.vector_store_idx %arg12[%shift_right_logical3A_564, %and3A_567], %broadcast_in_dim3A_9 masked %and3A_545 {add = true} : memref<48x128xf32, #tpu.memory_space<vmem>>[vector<16xi32>, vector<16xi32>], vector<16xf32>, vector<16xi1>
      %broadcast_in_dim3A_568 = arith.constant 15 : i32
      %broadcast_in_dim3A_569 = vector.broadcast %broadcast_in_dim3A_568 : i32 to vector<16xi32>
      %lt3A_570 = arith.constant 0 : i32
      %lt3A_571 = vector.broadcast %lt3A_570 : i32 to vector<16xi32>
      %lt3A_572 = arith.cmpi slt, %broadcast_in_dim3A_569, %lt3A_571 : vector<16xi32>
      %add3A_573 = arith.constant 16 : i32
      %add3A_574 = vector.broadcast %add3A_573 : i32 to vector<16xi32>
      %add3A_575 = arith.addi %broadcast_in_dim3A_569, %add3A_574 : vector<16xi32>
      %select_n3A_576 = arith.select %lt3A_572, %add3A_575, %broadcast_in_dim3A_569 : vector<16xi1>, vector<16xi32>
      %broadcast_in_dim3A_577 = vector.shape_cast %select_n3A_576 : vector<16xi32> to vector<16x1xi32>
      %gather3A_578 = vector.shape_cast %broadcast_in_dim3A_577 : vector<16x1xi32> to vector<16xi32>
      %gather3A_579 = tpu.dynamic_gather %masked_cumsum3A_553[%gather3A_578] in [0] : vector<16xi32>, vector<16xi32> -> vector<16xi32>
      %add3A_580 = arith.addi %add3A_526, %gather3A_579 : vector<16xi32>
      %get3A_581 = arith.index_cast %scan3A_205 : i32 to index
      %get3A_582 = arith.constant 112 : index
      %get3A_583 = tpu.vector_load %arg9[%get3A_581, %get3A_582] {strides = array<i32>} : memref<160x128xi32, #tpu.memory_space<vmem>>, vector<16xi32>,
      %get3A_584 = arith.index_cast %scan3A_205 : i32 to index
      %get3A_585 = arith.constant 112 : index
      %get3A_586 = tpu.vector_load %arg10[%get3A_584, %get3A_585] {strides = array<i32>} : memref<160x128xi32, #tpu.memory_space<vmem>>, vector<16xi32>,
      %sub3A_587 = vector.broadcast %mul3A_0 : i32 to vector<16xi32>
      %sub3A_588 = arith.subi %get3A_586, %sub3A_587 : vector<16xi32>
      %ge3A_589 = arith.constant 0 : i32
      %ge3A_590 = vector.broadcast %ge3A_589 : i32 to vector<16xi32>
      %ge3A_591 = arith.cmpi sge, %sub3A_588, %ge3A_590 : vector<16xi32>
      %lt3A_592 = arith.constant 5120 : i32
      %lt3A_593 = vector.broadcast %lt3A_592 : i32 to vector<16xi32>
      %lt3A_594 = arith.cmpi slt, %sub3A_588, %lt3A_593 : vector<16xi32>
      %and3A_595 = arith.andi %ge3A_591, %lt3A_594 : vector<16xi1>
      %lt3A_596 = arith.constant 10000 : i32
      %lt3A_597 = vector.broadcast %lt3A_596 : i32 to vector<16xi32>
      %lt3A_598 = arith.cmpi slt, %get3A_586, %lt3A_597 : vector<16xi32>
      %and3A_599 = arith.andi %and3A_595, %lt3A_598 : vector<16xi1>
      %jit3A_600 = arith.constant 1 : i32
      %jit3A_601 = arith.constant 0 : i32
      %broadcast_in_dim3A_602 = vector.broadcast %jit3A_600 : i32 to vector<16xi32>
      %broadcast_in_dim3A_603 = vector.broadcast %jit3A_601 : i32 to vector<16xi32>
      %select_n3A_604 = arith.select %and3A_599, %broadcast_in_dim3A_602, %broadcast_in_dim3A_603 : vector<16xi1>, vector<16xi32>
      %broadcast_in_dim3A_605 = arith.constant true
      %broadcast_in_dim3A_606 = vector.broadcast %broadcast_in_dim3A_605 : i1 to vector<16xi1>
      %masked_cumsum3A_607 = tpu.scan <sum>, %select_n3A_604 masked %broadcast_in_dim3A_606 : vector<16xi32>, vector<16xi1> -> vector<16xi32>
      %add3A_608 = arith.addi %add3A_580, %masked_cumsum3A_607 : vector<16xi32>
      %sub3A_609 = arith.subi %add3A_608, %select_n3A_604 : vector<16xi32>
      %shift_right_logical3A_610 = arith.constant 7 : i32
      %shift_right_logical3A_611 = vector.broadcast %shift_right_logical3A_610 : i32 to vector<16xi32>
      %shift_right_logical3A_612 = arith.shrui %sub3A_609, %shift_right_logical3A_611 : vector<16xi32>
      %and3A_613 = arith.constant 127 : i32
      %and3A_614 = vector.broadcast %and3A_613 : i32 to vector<16xi32>
      %and3A_615 = arith.andi %sub3A_609, %and3A_614 : vector<16xi32>
      tpu.vector_store_idx %arg9[%shift_right_logical3A_612, %and3A_615], %get3A_583 masked %and3A_599 : memref<160x128xi32, #tpu.memory_space<vmem>>[vector<16xi32>, vector<16xi32>], vector<16xi32>, vector<16xi1>
      tpu.vector_store_idx %arg10[%shift_right_logical3A_612, %and3A_615], %sub3A_588 masked %and3A_599 : memref<160x128xi32, #tpu.memory_space<vmem>>[vector<16xi32>, vector<16xi32>], vector<16xi32>, vector<16xi1>
      %shift_right_logical3A_616 = arith.constant 7 : i32
      %shift_right_logical3A_617 = vector.broadcast %shift_right_logical3A_616 : i32 to vector<16xi32>
      %shift_right_logical3A_618 = arith.shrui %sub3A_588, %shift_right_logical3A_617 : vector<16xi32>
      %and3A_619 = arith.constant 127 : i32
      %and3A_620 = vector.broadcast %and3A_619 : i32 to vector<16xi32>
      %and3A_621 = arith.andi %sub3A_588, %and3A_620 : vector<16xi32>
      tpu.vector_store_idx %arg12[%shift_right_logical3A_618, %and3A_621], %broadcast_in_dim3A_9 masked %and3A_599 {add = true} : memref<48x128xf32, #tpu.memory_space<vmem>>[vector<16xi32>, vector<16xi32>], vector<16xf32>, vector<16xi1>
      %broadcast_in_dim3A_622 = arith.constant 15 : i32
      %broadcast_in_dim3A_623 = vector.broadcast %broadcast_in_dim3A_622 : i32 to vector<16xi32>
      %lt3A_624 = arith.constant 0 : i32
      %lt3A_625 = vector.broadcast %lt3A_624 : i32 to vector<16xi32>
      %lt3A_626 = arith.cmpi slt, %broadcast_in_dim3A_623, %lt3A_625 : vector<16xi32>
      %add3A_627 = arith.constant 16 : i32
      %add3A_628 = vector.broadcast %add3A_627 : i32 to vector<16xi32>
      %add3A_629 = arith.addi %broadcast_in_dim3A_623, %add3A_628 : vector<16xi32>
      %select_n3A_630 = arith.select %lt3A_626, %add3A_629, %broadcast_in_dim3A_623 : vector<16xi1>, vector<16xi32>
      %broadcast_in_dim3A_631 = vector.shape_cast %select_n3A_630 : vector<16xi32> to vector<16x1xi32>
      %gather3A_632 = vector.shape_cast %broadcast_in_dim3A_631 : vector<16x1xi32> to vector<16xi32>
      %gather3A_633 = tpu.dynamic_gather %masked_cumsum3A_607[%gather3A_632] in [0] : vector<16xi32>, vector<16xi32> -> vector<16xi32>
      %add3A_634 = arith.addi %add3A_580, %gather3A_633 : vector<16xi32>
      scf.yield %add3A_634 : vector<16xi32>
    }
    %scan3A_16 = arith.constant 160 : i32
    %add3A = arith.constant 0 : i32
    %add3A_17 = vector.broadcast %add3A : i32 to vector<16xi32>
    %add3A_18 = arith.addi %add3A_17, %iota3A : vector<16xi32>
    %add3A_19 = arith.addi %scan3A_15, %add3A_18 : vector<16xi32>
    %lt3A = arith.constant 20480 : i32
    %lt3A_20 = vector.broadcast %lt3A : i32 to vector<16xi32>
    %lt3A_21 = arith.cmpi slt, %add3A_19, %lt3A_20 : vector<16xi32>
    %shift_right_logical3A = arith.constant 7 : i32
    %shift_right_logical3A_22 = vector.broadcast %shift_right_logical3A : i32 to vector<16xi32>
    %shift_right_logical3A_23 = arith.shrui %add3A_19, %shift_right_logical3A_22 : vector<16xi32>
    %and3A = arith.constant 127 : i32
    %and3A_24 = vector.broadcast %and3A : i32 to vector<16xi32>
    %and3A_25 = arith.andi %add3A_19, %and3A_24 : vector<16xi32>
    %mul3A_26 = arith.constant 64 : i32
    %mul3A_27 = vector.broadcast %mul3A_26 : i32 to vector<16xi32>
    %mul3A_28 = arith.muli %add3A_18, %mul3A_27 : vector<16xi32>
    tpu.vector_store_idx %arg9[%shift_right_logical3A_23, %and3A_25], %mul3A_28 masked %lt3A_21 : memref<160x128xi32, #tpu.memory_space<vmem>>[vector<16xi32>, vector<16xi32>], vector<16xi32>, vector<16xi1>
    %add3A_29 = arith.constant 5120 : i32
    %add3A_30 = vector.broadcast %add3A_29 : i32 to vector<16xi32>
    %add3A_31 = arith.addi %add3A_30, %add3A_18 : vector<16xi32>
    tpu.vector_store_idx %arg10[%shift_right_logical3A_23, %and3A_25], %add3A_31 masked %lt3A_21 : memref<160x128xi32, #tpu.memory_space<vmem>>[vector<16xi32>, vector<16xi32>], vector<16xi32>, vector<16xi1>
    %add3A_32 = arith.constant 16 : i32
    %add3A_33 = vector.broadcast %add3A_32 : i32 to vector<16xi32>
    %add3A_34 = arith.addi %add3A_33, %iota3A : vector<16xi32>
    %add3A_35 = arith.addi %scan3A_15, %add3A_34 : vector<16xi32>
    %lt3A_36 = arith.constant 20480 : i32
    %lt3A_37 = vector.broadcast %lt3A_36 : i32 to vector<16xi32>
    %lt3A_38 = arith.cmpi slt, %add3A_35, %lt3A_37 : vector<16xi32>
    %shift_right_logical3A_39 = arith.constant 7 : i32
    %shift_right_logical3A_40 = vector.broadcast %shift_right_logical3A_39 : i32 to vector<16xi32>
    %shift_right_logical3A_41 = arith.shrui %add3A_35, %shift_right_logical3A_40 : vector<16xi32>
    %and3A_42 = arith.constant 127 : i32
    %and3A_43 = vector.broadcast %and3A_42 : i32 to vector<16xi32>
    %and3A_44 = arith.andi %add3A_35, %and3A_43 : vector<16xi32>
    %mul3A_45 = arith.constant 64 : i32
    %mul3A_46 = vector.broadcast %mul3A_45 : i32 to vector<16xi32>
    %mul3A_47 = arith.muli %add3A_34, %mul3A_46 : vector<16xi32>
    tpu.vector_store_idx %arg9[%shift_right_logical3A_41, %and3A_44], %mul3A_47 masked %lt3A_38 : memref<160x128xi32, #tpu.memory_space<vmem>>[vector<16xi32>, vector<16xi32>], vector<16xi32>, vector<16xi1>
    %add3A_48 = arith.constant 5120 : i32
    %add3A_49 = vector.broadcast %add3A_48 : i32 to vector<16xi32>
    %add3A_50 = arith.addi %add3A_49, %add3A_34 : vector<16xi32>
    tpu.vector_store_idx %arg10[%shift_right_logical3A_41, %and3A_44], %add3A_50 masked %lt3A_38 : memref<160x128xi32, #tpu.memory_space<vmem>>[vector<16xi32>, vector<16xi32>], vector<16xi32>, vector<16xi1>
    %add3A_51 = arith.constant 32 : i32
    %add3A_52 = vector.broadcast %add3A_51 : i32 to vector<16xi32>
    %add3A_53 = arith.addi %add3A_52, %iota3A : vector<16xi32>
    %add3A_54 = arith.addi %scan3A_15, %add3A_53 : vector<16xi32>
    %lt3A_55 = arith.constant 20480 : i32
    %lt3A_56 = vector.broadcast %lt3A_55 : i32 to vector<16xi32>
    %lt3A_57 = arith.cmpi slt, %add3A_54, %lt3A_56 : vector<16xi32>
    %shift_right_logical3A_58 = arith.constant 7 : i32
    %shift_right_logical3A_59 = vector.broadcast %shift_right_logical3A_58 : i32 to vector<16xi32>
    %shift_right_logical3A_60 = arith.shrui %add3A_54, %shift_right_logical3A_59 : vector<16xi32>
    %and3A_61 = arith.constant 127 : i32
    %and3A_62 = vector.broadcast %and3A_61 : i32 to vector<16xi32>
    %and3A_63 = arith.andi %add3A_54, %and3A_62 : vector<16xi32>
    %mul3A_64 = arith.constant 64 : i32
    %mul3A_65 = vector.broadcast %mul3A_64 : i32 to vector<16xi32>
    %mul3A_66 = arith.muli %add3A_53, %mul3A_65 : vector<16xi32>
    tpu.vector_store_idx %arg9[%shift_right_logical3A_60, %and3A_63], %mul3A_66 masked %lt3A_57 : memref<160x128xi32, #tpu.memory_space<vmem>>[vector<16xi32>, vector<16xi32>], vector<16xi32>, vector<16xi1>
    %add3A_67 = arith.constant 5120 : i32
    %add3A_68 = vector.broadcast %add3A_67 : i32 to vector<16xi32>
    %add3A_69 = arith.addi %add3A_68, %add3A_53 : vector<16xi32>
    tpu.vector_store_idx %arg10[%shift_right_logical3A_60, %and3A_63], %add3A_69 masked %lt3A_57 : memref<160x128xi32, #tpu.memory_space<vmem>>[vector<16xi32>, vector<16xi32>], vector<16xi32>, vector<16xi1>
    %add3A_70 = arith.constant 48 : i32
    %add3A_71 = vector.broadcast %add3A_70 : i32 to vector<16xi32>
    %add3A_72 = arith.addi %add3A_71, %iota3A : vector<16xi32>
    %add3A_73 = arith.addi %scan3A_15, %add3A_72 : vector<16xi32>
    %lt3A_74 = arith.constant 20480 : i32
    %lt3A_75 = vector.broadcast %lt3A_74 : i32 to vector<16xi32>
    %lt3A_76 = arith.cmpi slt, %add3A_73, %lt3A_75 : vector<16xi32>
    %shift_right_logical3A_77 = arith.constant 7 : i32
    %shift_right_logical3A_78 = vector.broadcast %shift_right_logical3A_77 : i32 to vector<16xi32>
    %shift_right_logical3A_79 = arith.shrui %add3A_73, %shift_right_logical3A_78 : vector<16xi32>
    %and3A_80 = arith.constant 127 : i32
    %and3A_81 = vector.broadcast %and3A_80 : i32 to vector<16xi32>
    %and3A_82 = arith.andi %add3A_73, %and3A_81 : vector<16xi32>
    %mul3A_83 = arith.constant 64 : i32
    %mul3A_84 = vector.broadcast %mul3A_83 : i32 to vector<16xi32>
    %mul3A_85 = arith.muli %add3A_72, %mul3A_84 : vector<16xi32>
    tpu.vector_store_idx %arg9[%shift_right_logical3A_79, %and3A_82], %mul3A_85 masked %lt3A_76 : memref<160x128xi32, #tpu.memory_space<vmem>>[vector<16xi32>, vector<16xi32>], vector<16xi32>, vector<16xi1>
    %add3A_86 = arith.constant 5120 : i32
    %add3A_87 = vector.broadcast %add3A_86 : i32 to vector<16xi32>
    %add3A_88 = arith.addi %add3A_87, %add3A_72 : vector<16xi32>
    tpu.vector_store_idx %arg10[%shift_right_logical3A_79, %and3A_82], %add3A_88 masked %lt3A_76 : memref<160x128xi32, #tpu.memory_space<vmem>>[vector<16xi32>, vector<16xi32>], vector<16xi32>, vector<16xi1>
    %add3A_89 = arith.constant 64 : i32
    %add3A_90 = vector.broadcast %add3A_89 : i32 to vector<16xi32>
    %add3A_91 = arith.addi %add3A_90, %iota3A : vector<16xi32>
    %add3A_92 = arith.addi %scan3A_15, %add3A_91 : vector<16xi32>
    %lt3A_93 = arith.constant 20480 : i32
    %lt3A_94 = vector.broadcast %lt3A_93 : i32 to vector<16xi32>
    %lt3A_95 = arith.cmpi slt, %add3A_92, %lt3A_94 : vector<16xi32>
    %shift_right_logical3A_96 = arith.constant 7 : i32
    %shift_right_logical3A_97 = vector.broadcast %shift_right_logical3A_96 : i32 to vector<16xi32>
    %shift_right_logical3A_98 = arith.shrui %add3A_92, %shift_right_logical3A_97 : vector<16xi32>
    %and3A_99 = arith.constant 127 : i32
    %and3A_100 = vector.broadcast %and3A_99 : i32 to vector<16xi32>
    %and3A_101 = arith.andi %add3A_92, %and3A_100 : vector<16xi32>
    %mul3A_102 = arith.constant 64 : i32
    %mul3A_103 = vector.broadcast %mul3A_102 : i32 to vector<16xi32>
    %mul3A_104 = arith.muli %add3A_91, %mul3A_103 : vector<16xi32>
    tpu.vector_store_idx %arg9[%shift_right_logical3A_98, %and3A_101], %mul3A_104 masked %lt3A_95 : memref<160x128xi32, #tpu.memory_space<vmem>>[vector<16xi32>, vector<16xi32>], vector<16xi32>, vector<16xi1>
    %add3A_105 = arith.constant 5120 : i32
    %add3A_106 = vector.broadcast %add3A_105 : i32 to vector<16xi32>
    %add3A_107 = arith.addi %add3A_106, %add3A_91 : vector<16xi32>
    tpu.vector_store_idx %arg10[%shift_right_logical3A_98, %and3A_101], %add3A_107 masked %lt3A_95 : memref<160x128xi32, #tpu.memory_space<vmem>>[vector<16xi32>, vector<16xi32>], vector<16xi32>, vector<16xi1>
    %add3A_108 = arith.constant 80 : i32
    %add3A_109 = vector.broadcast %add3A_108 : i32 to vector<16xi32>
    %add3A_110 = arith.addi %add3A_109, %iota3A : vector<16xi32>
    %add3A_111 = arith.addi %scan3A_15, %add3A_110 : vector<16xi32>
    %lt3A_112 = arith.constant 20480 : i32
    %lt3A_113 = vector.broadcast %lt3A_112 : i32 to vector<16xi32>
    %lt3A_114 = arith.cmpi slt, %add3A_111, %lt3A_113 : vector<16xi32>
    %shift_right_logical3A_115 = arith.constant 7 : i32
    %shift_right_logical3A_116 = vector.broadcast %shift_right_logical3A_115 : i32 to vector<16xi32>
    %shift_right_logical3A_117 = arith.shrui %add3A_111, %shift_right_logical3A_116 : vector<16xi32>
    %and3A_118 = arith.constant 127 : i32
    %and3A_119 = vector.broadcast %and3A_118 : i32 to vector<16xi32>
    %and3A_120 = arith.andi %add3A_111, %and3A_119 : vector<16xi32>
    %mul3A_121 = arith.constant 64 : i32
    %mul3A_122 = vector.broadcast %mul3A_121 : i32 to vector<16xi32>
    %mul3A_123 = arith.muli %add3A_110, %mul3A_122 : vector<16xi32>
    tpu.vector_store_idx %arg9[%shift_right_logical3A_117, %and3A_120], %mul3A_123 masked %lt3A_114 : memref<160x128xi32, #tpu.memory_space<vmem>>[vector<16xi32>, vector<16xi32>], vector<16xi32>, vector<16xi1>
    %add3A_124 = arith.constant 5120 : i32
    %add3A_125 = vector.broadcast %add3A_124 : i32 to vector<16xi32>
    %add3A_126 = arith.addi %add3A_125, %add3A_110 : vector<16xi32>
    tpu.vector_store_idx %arg10[%shift_right_logical3A_117, %and3A_120], %add3A_126 masked %lt3A_114 : memref<160x128xi32, #tpu.memory_space<vmem>>[vector<16xi32>, vector<16xi32>], vector<16xi32>, vector<16xi1>
    %add3A_127 = arith.constant 96 : i32
    %add3A_128 = vector.broadcast %add3A_127 : i32 to vector<16xi32>
    %add3A_129 = arith.addi %add3A_128, %iota3A : vector<16xi32>
    %add3A_130 = arith.addi %scan3A_15, %add3A_129 : vector<16xi32>
    %lt3A_131 = arith.constant 20480 : i32
    %lt3A_132 = vector.broadcast %lt3A_131 : i32 to vector<16xi32>
    %lt3A_133 = arith.cmpi slt, %add3A_130, %lt3A_132 : vector<16xi32>
    %shift_right_logical3A_134 = arith.constant 7 : i32
    %shift_right_logical3A_135 = vector.broadcast %shift_right_logical3A_134 : i32 to vector<16xi32>
    %shift_right_logical3A_136 = arith.shrui %add3A_130, %shift_right_logical3A_135 : vector<16xi32>
    %and3A_137 = arith.constant 127 : i32
    %and3A_138 = vector.broadcast %and3A_137 : i32 to vector<16xi32>
    %and3A_139 = arith.andi %add3A_130, %and3A_138 : vector<16xi32>
    %mul3A_140 = arith.constant 64 : i32
    %mul3A_141 = vector.broadcast %mul3A_140 : i32 to vector<16xi32>
    %mul3A_142 = arith.muli %add3A_129, %mul3A_141 : vector<16xi32>
    tpu.vector_store_idx %arg9[%shift_right_logical3A_136, %and3A_139], %mul3A_142 masked %lt3A_133 : memref<160x128xi32, #tpu.memory_space<vmem>>[vector<16xi32>, vector<16xi32>], vector<16xi32>, vector<16xi1>
    %add3A_143 = arith.constant 5120 : i32
    %add3A_144 = vector.broadcast %add3A_143 : i32 to vector<16xi32>
    %add3A_145 = arith.addi %add3A_144, %add3A_129 : vector<16xi32>
    tpu.vector_store_idx %arg10[%shift_right_logical3A_136, %and3A_139], %add3A_145 masked %lt3A_133 : memref<160x128xi32, #tpu.memory_space<vmem>>[vector<16xi32>, vector<16xi32>], vector<16xi32>, vector<16xi1>
    %add3A_146 = arith.constant 112 : i32
    %add3A_147 = vector.broadcast %add3A_146 : i32 to vector<16xi32>
    %add3A_148 = arith.addi %add3A_147, %iota3A : vector<16xi32>
    %add3A_149 = arith.addi %scan3A_15, %add3A_148 : vector<16xi32>
    %lt3A_150 = arith.constant 20480 : i32
    %lt3A_151 = vector.broadcast %lt3A_150 : i32 to vector<16xi32>
    %lt3A_152 = arith.cmpi slt, %add3A_149, %lt3A_151 : vector<16xi32>
    %shift_right_logical3A_153 = arith.constant 7 : i32
    %shift_right_logical3A_154 = vector.broadcast %shift_right_logical3A_153 : i32 to vector<16xi32>
    %shift_right_logical3A_155 = arith.shrui %add3A_149, %shift_right_logical3A_154 : vector<16xi32>
    %and3A_156 = arith.constant 127 : i32
    %and3A_157 = vector.broadcast %and3A_156 : i32 to vector<16xi32>
    %and3A_158 = arith.andi %add3A_149, %and3A_157 : vector<16xi32>
    %mul3A_159 = arith.constant 64 : i32
    %mul3A_160 = vector.broadcast %mul3A_159 : i32 to vector<16xi32>
    %mul3A_161 = arith.muli %add3A_148, %mul3A_160 : vector<16xi32>
    tpu.vector_store_idx %arg9[%shift_right_logical3A_155, %and3A_158], %mul3A_161 masked %lt3A_152 : memref<160x128xi32, #tpu.memory_space<vmem>>[vector<16xi32>, vector<16xi32>], vector<16xi32>, vector<16xi1>
    %add3A_162 = arith.constant 5120 : i32
    %add3A_163 = vector.broadcast %add3A_162 : i32 to vector<16xi32>
    %add3A_164 = arith.addi %add3A_163, %add3A_148 : vector<16xi32>
    tpu.vector_store_idx %arg10[%shift_right_logical3A_155, %and3A_158], %add3A_164 masked %lt3A_152 : memref<160x128xi32, #tpu.memory_space<vmem>>[vector<16xi32>, vector<16xi32>], vector<16xi32>, vector<16xi1>
    %eq3A_165 = arith.constant 0 : i32
    %eq3A_166 = vector.broadcast %eq3A_165 : i32 to vector<16xi32>
    %eq3A_167 = arith.cmpi eq, %iota3A, %eq3A_166 : vector<16xi32>
    %jit3A = arith.constant 0 : i32
    %broadcast_in_dim3A_168 = vector.broadcast %jit3A : i32 to vector<16xi32>
    %select_n3A = arith.select %eq3A_167, %scan3A_15, %broadcast_in_dim3A_168 : vector<16xi1>, vector<16xi32>
    %reduce_sum3A = arith.constant true
    %reduce_sum3A_169 = vector.broadcast %reduce_sum3A : i1 to vector<16xi1>
    %reduce_sum3A_170 = tpu.scan <sum>, %select_n3A masked %reduce_sum3A_169 : vector<16xi32>, vector<16xi1> -> vector<16xi32>
    %reduce_sum3A_171 = vector.extract %reduce_sum3A_170[15] : i32 from vector<16xi32>
    %add3A_172 = arith.constant 128 : i32
    %add3A_173 = arith.addi %reduce_sum3A_171, %add3A_172 : i32
    %sub3A = arith.constant 1 : i32
    %sub3A_174 = arith.subi %add3A_173, %sub3A : i32
    %shift_right_logical3A_175 = arith.constant 7 : i32
    %shift_right_logical3A_176 = arith.shrui %sub3A_174, %shift_right_logical3A_175 : i32
    %barrier3A = arith.constant 0 : index
    tpu.barrier barrier_id(%barrier3A)
    %gt3A = arith.constant 0 : i32
    %gt3A_177 = arith.cmpi sgt, %shift_right_logical3A_176, %gt3A : i32
    %convert_element_type3A_178 = arith.extui %gt3A_177 : i1 to i32
    %cond3A_179 = arith.constant 0 : i32
    %cond3A_180 = arith.cmpi ne, %convert_element_type3A_178, %cond3A_179 : i32
    scf.if %cond3A_180 {
      %dma_start3A = arith.constant 0 : i32
      %dma_start3A_205 = arith.constant 0 : i32
      %dma_start3A_206 = arith.constant 0 : i32
      %dma_start3A_207 = arith.constant 0 : i32
      %dma_start3A_208 = tpu.memref_slice %arg11[%dma_start3A_205, %dma_start3A_206, %dma_start3A_207] : memref<2x128x128xf32, #tpu.memory_space<vmem>> -> memref<1x64x128xf32, #tpu.memory_space<vmem>>
      %dma_start3A_209 = tpu.memref_squeeze %dma_start3A_208 : memref<1x64x128xf32, #tpu.memory_space<vmem>> -> memref<64x128xf32, #tpu.memory_space<vmem>>
      %dma_start3A_210 = arith.constant 0 : i32
      %dma_start3A_211 = tpu.memref_slice %arg9[%dma_start3A, %dma_start3A_210] : memref<160x128xi32, #tpu.memory_space<vmem>> -> memref<1x64xi32, #tpu.memory_space<vmem>>
      %dma_start3A_212 = tpu.memref_squeeze %dma_start3A_211 : memref<1x64xi32, #tpu.memory_space<vmem>> -> memref<64xi32, #tpu.memory_space<vmem>>
      %dma_start3A_213 = arith.constant 0 : i32
      %dma_start3A_214 = arith.constant 0 : i32
      %dma_start3A_215 = tpu.memref_slice %arg2[%dma_start3A_213, %dma_start3A_214] : memref<10000x128xf32, #tpu.memory_space<hbm>> -> memref<10000x128xf32, #tpu.memory_space<hbm>>
      tpu.enqueue_indirect_dma source(%dma_start3A_215 : memref<10000x128xf32, #tpu.memory_space<hbm>>) target(%dma_start3A_209 : memref<64x128xf32, #tpu.memory_space<vmem>>) offsets(%dma_start3A_212 : memref<64xi32, #tpu.memory_space<vmem>>) semaphore(%arg16 : memref<!tpu.dma_semaphore, #tpu.memory_space<semaphore_mem>>)
      %dma_start3A_216 = arith.constant 0 : i32
      %dma_start3A_217 = arith.constant 0 : i32
      %dma_start3A_218 = arith.constant 64 : i32
      %dma_start3A_219 = arith.constant 0 : i32
      %dma_start3A_220 = tpu.memref_slice %arg11[%dma_start3A_217, %dma_start3A_218, %dma_start3A_219] : memref<2x128x128xf32, #tpu.memory_space<vmem>> -> memref<1x64x128xf32, #tpu.memory_space<vmem>>
      %dma_start3A_221 = tpu.memref_squeeze %dma_start3A_220 : memref<1x64x128xf32, #tpu.memory_space<vmem>> -> memref<64x128xf32, #tpu.memory_space<vmem>>
      %dma_start3A_222 = arith.constant 64 : i32
      %dma_start3A_223 = tpu.memref_slice %arg9[%dma_start3A_216, %dma_start3A_222] : memref<160x128xi32, #tpu.memory_space<vmem>> -> memref<1x64xi32, #tpu.memory_space<vmem>>
      %dma_start3A_224 = tpu.memref_squeeze %dma_start3A_223 : memref<1x64xi32, #tpu.memory_space<vmem>> -> memref<64xi32, #tpu.memory_space<vmem>>
      %dma_start3A_225 = arith.constant 0 : i32
      %dma_start3A_226 = arith.constant 0 : i32
      %dma_start3A_227 = tpu.memref_slice %arg2[%dma_start3A_225, %dma_start3A_226] : memref<10000x128xf32, #tpu.memory_space<hbm>> -> memref<10000x128xf32, #tpu.memory_space<hbm>>
      tpu.enqueue_indirect_dma source(%dma_start3A_227 : memref<10000x128xf32, #tpu.memory_space<hbm>>) target(%dma_start3A_221 : memref<64x128xf32, #tpu.memory_space<vmem>>) offsets(%dma_start3A_224 : memref<64xi32, #tpu.memory_space<vmem>>) semaphore(%arg18 : memref<!tpu.dma_semaphore, #tpu.memory_space<semaphore_mem>>)
    } else {
    }
    %while3A = arith.constant 0 : i32
    %while3A_181 = arith.constant 0 : i32
    %while3A_182 = arith.subi %shift_right_logical3A_176, %while3A_181 : i32
    %while3A_183 = arith.addi %while3A_181, %while3A_182 : i32
    %while3A_184 = arith.constant 1 : i32
    %while3A_185 = arith.divsi %while3A_182, %while3A_184 : i32
    %while3A_186 = arith.muli %while3A_185, %while3A_184 : i32
    %while3A_187 = arith.addi %while3A_181, %while3A_186 : i32
    %while3A_188 = arith.constant 1 : i32
    scf.for %while3A_205 = %while3A_181 to %while3A_187 step %while3A_188  : i32 {
      %and3A_206 = arith.constant 1 : i32
      %and3A_207 = arith.andi %while3A_205, %and3A_206 : i32
      %dma_wait3A = arith.constant 0 : i32
      %dma_wait3A_208 = arith.constant 0 : i32
      %dma_wait3A_209 = tpu.memref_slice %arg11[%and3A_207, %dma_wait3A, %dma_wait3A_208] : memref<2x128x128xf32, #tpu.memory_space<vmem>> -> memref<1x64x128xf32, #tpu.memory_space<vmem>>
      %dma_wait3A_210 = tpu.memref_squeeze %dma_wait3A_209 : memref<1x64x128xf32, #tpu.memory_space<vmem>> -> memref<64x128xf32, #tpu.memory_space<vmem>>
      %dma_wait3A_211 = arith.constant 0 : i32
      %dma_wait3A_212 = tpu.memref_slice %arg9[%while3A_205, %dma_wait3A_211] : memref<160x128xi32, #tpu.memory_space<vmem>> -> memref<1x64xi32, #tpu.memory_space<vmem>>
      %dma_wait3A_213 = tpu.memref_squeeze %dma_wait3A_212 : memref<1x64xi32, #tpu.memory_space<vmem>> -> memref<64xi32, #tpu.memory_space<vmem>>
      %dma_wait3A_214 = arith.constant 0 : i32
      %dma_wait3A_215 = arith.constant 0 : i32
      %dma_wait3A_216 = tpu.memref_slice %arg2[%dma_wait3A_214, %dma_wait3A_215] : memref<10000x128xf32, #tpu.memory_space<hbm>> -> memref<10000x128xf32, #tpu.memory_space<hbm>>
      tpu.wait_indirect_dma semaphore(%arg16 : memref<!tpu.dma_semaphore, #tpu.memory_space<semaphore_mem>>) src(%dma_wait3A_216 : memref<10000x128xf32, #tpu.memory_space<hbm>>) dst(%dma_wait3A_210 : memref<64x128xf32, #tpu.memory_space<vmem>>)
      %dma_wait3A_217 = arith.constant 64 : i32
      %dma_wait3A_218 = arith.constant 0 : i32
      %dma_wait3A_219 = tpu.memref_slice %arg11[%and3A_207, %dma_wait3A_217, %dma_wait3A_218] : memref<2x128x128xf32, #tpu.memory_space<vmem>> -> memref<1x64x128xf32, #tpu.memory_space<vmem>>
      %dma_wait3A_220 = tpu.memref_squeeze %dma_wait3A_219 : memref<1x64x128xf32, #tpu.memory_space<vmem>> -> memref<64x128xf32, #tpu.memory_space<vmem>>
      %dma_wait3A_221 = arith.constant 64 : i32
      %dma_wait3A_222 = tpu.memref_slice %arg9[%while3A_205, %dma_wait3A_221] : memref<160x128xi32, #tpu.memory_space<vmem>> -> memref<1x64xi32, #tpu.memory_space<vmem>>
      %dma_wait3A_223 = tpu.memref_squeeze %dma_wait3A_222 : memref<1x64xi32, #tpu.memory_space<vmem>> -> memref<64xi32, #tpu.memory_space<vmem>>
      %dma_wait3A_224 = arith.constant 0 : i32
      %dma_wait3A_225 = arith.constant 0 : i32
      %dma_wait3A_226 = tpu.memref_slice %arg2[%dma_wait3A_224, %dma_wait3A_225] : memref<10000x128xf32, #tpu.memory_space<hbm>> -> memref<10000x128xf32, #tpu.memory_space<hbm>>
      tpu.wait_indirect_dma semaphore(%arg18 : memref<!tpu.dma_semaphore, #tpu.memory_space<semaphore_mem>>) src(%dma_wait3A_226 : memref<10000x128xf32, #tpu.memory_space<hbm>>) dst(%dma_wait3A_220 : memref<64x128xf32, #tpu.memory_space<vmem>>)
      %gt3A_227 = arith.constant 0 : i32
      %gt3A_228 = arith.cmpi sgt, %while3A_205, %gt3A_227 : i32
      %convert_element_type3A_229 = arith.extui %gt3A_228 : i1 to i32
      %cond3A_230 = arith.constant 0 : i32
      %cond3A_231 = arith.cmpi ne, %convert_element_type3A_229, %cond3A_230 : i32
      scf.if %cond3A_231 {
        %sub3A_247 = arith.constant 1 : i32
        %sub3A_248 = arith.subi %sub3A_247, %and3A_207 : i32
        %sub3A_249 = arith.constant 1 : i32
        %sub3A_250 = arith.subi %while3A_205, %sub3A_249 : i32
        %dma_wait3A_251 = arith.constant 0 : i32
        %dma_wait3A_252 = arith.constant 0 : i32
        %dma_wait3A_253 = tpu.memref_slice %arg11[%sub3A_248, %dma_wait3A_251, %dma_wait3A_252] : memref<2x128x128xf32, #tpu.memory_space<vmem>> -> memref<1x128x128xf32, #tpu.memory_space<vmem>>
        %dma_wait3A_254 = tpu.memref_squeeze %dma_wait3A_253 : memref<1x128x128xf32, #tpu.memory_space<vmem>> -> memref<128x128xf32, #tpu.memory_space<vmem>>
        %dma_wait3A_255 = arith.constant 0 : i32
        %dma_wait3A_256 = tpu.memref_slice %arg10[%sub3A_250, %dma_wait3A_255] : memref<160x128xi32, #tpu.memory_space<vmem>> -> memref<1x128xi32, #tpu.memory_space<vmem>>
        %dma_wait3A_257 = tpu.memref_squeeze %dma_wait3A_256 : memref<1x128xi32, #tpu.memory_space<vmem>> -> memref<128xi32, #tpu.memory_space<vmem>>
        %dma_wait3A_258 = arith.constant 0 : i32
        %dma_wait3A_259 = arith.constant 0 : i32
        %dma_wait3A_260 = tpu.memref_slice %arg14[%dma_wait3A_258, %dma_wait3A_259] : memref<5248x128xf32, #tpu.memory_space<vmem_shared>> -> memref<5248x128xf32, #tpu.memory_space<vmem_shared>>
        tpu.wait_indirect_dma semaphore(%arg17 : memref<!tpu.dma_semaphore, #tpu.memory_space<semaphore_mem>>) src(%dma_wait3A_254 : memref<128x128xf32, #tpu.memory_space<vmem>>) dst(%dma_wait3A_260 : memref<5248x128xf32, #tpu.memory_space<vmem_shared>>)
      } else {
      }
      %dma_start3A = arith.constant 0 : i32
      %dma_start3A_232 = arith.constant 0 : i32
      %dma_start3A_233 = tpu.memref_slice %arg11[%and3A_207, %dma_start3A, %dma_start3A_232] : memref<2x128x128xf32, #tpu.memory_space<vmem>> -> memref<1x128x128xf32, #tpu.memory_space<vmem>>
      %dma_start3A_234 = tpu.memref_squeeze %dma_start3A_233 : memref<1x128x128xf32, #tpu.memory_space<vmem>> -> memref<128x128xf32, #tpu.memory_space<vmem>>
      %dma_start3A_235 = arith.constant 0 : i32
      %dma_start3A_236 = tpu.memref_slice %arg10[%while3A_205, %dma_start3A_235] : memref<160x128xi32, #tpu.memory_space<vmem>> -> memref<1x128xi32, #tpu.memory_space<vmem>>
      %dma_start3A_237 = tpu.memref_squeeze %dma_start3A_236 : memref<1x128xi32, #tpu.memory_space<vmem>> -> memref<128xi32, #tpu.memory_space<vmem>>
      %dma_start3A_238 = arith.constant 0 : i32
      %dma_start3A_239 = arith.constant 0 : i32
      %dma_start3A_240 = tpu.memref_slice %arg14[%dma_start3A_238, %dma_start3A_239] : memref<5248x128xf32, #tpu.memory_space<vmem_shared>> -> memref<5248x128xf32, #tpu.memory_space<vmem_shared>>
      tpu.enqueue_indirect_dma source(%dma_start3A_234 : memref<128x128xf32, #tpu.memory_space<vmem>>) target(%dma_start3A_240 : memref<5248x128xf32, #tpu.memory_space<vmem_shared>>) offsets(%dma_start3A_237 : memref<128xi32, #tpu.memory_space<vmem>>) semaphore(%arg17 : memref<!tpu.dma_semaphore, #tpu.memory_space<semaphore_mem>>) {add = true}
      %sub3A_241 = arith.constant 1 : i32
      %sub3A_242 = arith.subi %shift_right_logical3A_176, %sub3A_241 : i32
      %lt3A_243 = arith.cmpi slt, %while3A_205, %sub3A_242 : i32
      %convert_element_type3A_244 = arith.extui %lt3A_243 : i1 to i32
      %cond3A_245 = arith.constant 0 : i32
      %cond3A_246 = arith.cmpi ne, %convert_element_type3A_244, %cond3A_245 : i32
      scf.if %cond3A_246 {
        %add3A_247 = arith.constant 1 : i32
        %add3A_248 = arith.addi %while3A_205, %add3A_247 : i32
        %sub3A_249 = arith.constant 1 : i32
        %sub3A_250 = arith.subi %sub3A_249, %and3A_207 : i32
        %dma_start3A_251 = arith.constant 0 : i32
        %dma_start3A_252 = arith.constant 0 : i32
        %dma_start3A_253 = tpu.memref_slice %arg11[%sub3A_250, %dma_start3A_251, %dma_start3A_252] : memref<2x128x128xf32, #tpu.memory_space<vmem>> -> memref<1x64x128xf32, #tpu.memory_space<vmem>>
        %dma_start3A_254 = tpu.memref_squeeze %dma_start3A_253 : memref<1x64x128xf32, #tpu.memory_space<vmem>> -> memref<64x128xf32, #tpu.memory_space<vmem>>
        %dma_start3A_255 = arith.constant 0 : i32
        %dma_start3A_256 = tpu.memref_slice %arg9[%add3A_248, %dma_start3A_255] : memref<160x128xi32, #tpu.memory_space<vmem>> -> memref<1x64xi32, #tpu.memory_space<vmem>>
        %dma_start3A_257 = tpu.memref_squeeze %dma_start3A_256 : memref<1x64xi32, #tpu.memory_space<vmem>> -> memref<64xi32, #tpu.memory_space<vmem>>
        %dma_start3A_258 = arith.constant 0 : i32
        %dma_start3A_259 = arith.constant 0 : i32
        %dma_start3A_260 = tpu.memref_slice %arg2[%dma_start3A_258, %dma_start3A_259] : memref<10000x128xf32, #tpu.memory_space<hbm>> -> memref<10000x128xf32, #tpu.memory_space<hbm>>
        tpu.enqueue_indirect_dma source(%dma_start3A_260 : memref<10000x128xf32, #tpu.memory_space<hbm>>) target(%dma_start3A_254 : memref<64x128xf32, #tpu.memory_space<vmem>>) offsets(%dma_start3A_257 : memref<64xi32, #tpu.memory_space<vmem>>) semaphore(%arg16 : memref<!tpu.dma_semaphore, #tpu.memory_space<semaphore_mem>>)
        %dma_start3A_261 = arith.constant 64 : i32
        %dma_start3A_262 = arith.constant 0 : i32
        %dma_start3A_263 = tpu.memref_slice %arg11[%sub3A_250, %dma_start3A_261, %dma_start3A_262] : memref<2x128x128xf32, #tpu.memory_space<vmem>> -> memref<1x64x128xf32, #tpu.memory_space<vmem>>
        %dma_start3A_264 = tpu.memref_squeeze %dma_start3A_263 : memref<1x64x128xf32, #tpu.memory_space<vmem>> -> memref<64x128xf32, #tpu.memory_space<vmem>>
        %dma_start3A_265 = arith.constant 64 : i32
        %dma_start3A_266 = tpu.memref_slice %arg9[%add3A_248, %dma_start3A_265] : memref<160x128xi32, #tpu.memory_space<vmem>> -> memref<1x64xi32, #tpu.memory_space<vmem>>
        %dma_start3A_267 = tpu.memref_squeeze %dma_start3A_266 : memref<1x64xi32, #tpu.memory_space<vmem>> -> memref<64xi32, #tpu.memory_space<vmem>>
        %dma_start3A_268 = arith.constant 0 : i32
        %dma_start3A_269 = arith.constant 0 : i32
        %dma_start3A_270 = tpu.memref_slice %arg2[%dma_start3A_268, %dma_start3A_269] : memref<10000x128xf32, #tpu.memory_space<hbm>> -> memref<10000x128xf32, #tpu.memory_space<hbm>>
        tpu.enqueue_indirect_dma source(%dma_start3A_270 : memref<10000x128xf32, #tpu.memory_space<hbm>>) target(%dma_start3A_264 : memref<64x128xf32, #tpu.memory_space<vmem>>) offsets(%dma_start3A_267 : memref<64xi32, #tpu.memory_space<vmem>>) semaphore(%arg18 : memref<!tpu.dma_semaphore, #tpu.memory_space<semaphore_mem>>)
      } else {
      }
    }
    %while3A_189 = arith.constant 1 : i32
    scf.for %while3A_205 = %while3A_187 to %while3A_183 step %while3A_189  : i32 {
      %and3A_206 = arith.constant 1 : i32
      %and3A_207 = arith.andi %while3A_205, %and3A_206 : i32
      %dma_wait3A = arith.constant 0 : i32
      %dma_wait3A_208 = arith.constant 0 : i32
      %dma_wait3A_209 = tpu.memref_slice %arg11[%and3A_207, %dma_wait3A, %dma_wait3A_208] : memref<2x128x128xf32, #tpu.memory_space<vmem>> -> memref<1x64x128xf32, #tpu.memory_space<vmem>>
      %dma_wait3A_210 = tpu.memref_squeeze %dma_wait3A_209 : memref<1x64x128xf32, #tpu.memory_space<vmem>> -> memref<64x128xf32, #tpu.memory_space<vmem>>
      %dma_wait3A_211 = arith.constant 0 : i32
      %dma_wait3A_212 = tpu.memref_slice %arg9[%while3A_205, %dma_wait3A_211] : memref<160x128xi32, #tpu.memory_space<vmem>> -> memref<1x64xi32, #tpu.memory_space<vmem>>
      %dma_wait3A_213 = tpu.memref_squeeze %dma_wait3A_212 : memref<1x64xi32, #tpu.memory_space<vmem>> -> memref<64xi32, #tpu.memory_space<vmem>>
      %dma_wait3A_214 = arith.constant 0 : i32
      %dma_wait3A_215 = arith.constant 0 : i32
      %dma_wait3A_216 = tpu.memref_slice %arg2[%dma_wait3A_214, %dma_wait3A_215] : memref<10000x128xf32, #tpu.memory_space<hbm>> -> memref<10000x128xf32, #tpu.memory_space<hbm>>
      tpu.wait_indirect_dma semaphore(%arg16 : memref<!tpu.dma_semaphore, #tpu.memory_space<semaphore_mem>>) src(%dma_wait3A_216 : memref<10000x128xf32, #tpu.memory_space<hbm>>) dst(%dma_wait3A_210 : memref<64x128xf32, #tpu.memory_space<vmem>>)
      %dma_wait3A_217 = arith.constant 64 : i32
      %dma_wait3A_218 = arith.constant 0 : i32
      %dma_wait3A_219 = tpu.memref_slice %arg11[%and3A_207, %dma_wait3A_217, %dma_wait3A_218] : memref<2x128x128xf32, #tpu.memory_space<vmem>> -> memref<1x64x128xf32, #tpu.memory_space<vmem>>
      %dma_wait3A_220 = tpu.memref_squeeze %dma_wait3A_219 : memref<1x64x128xf32, #tpu.memory_space<vmem>> -> memref<64x128xf32, #tpu.memory_space<vmem>>
      %dma_wait3A_221 = arith.constant 64 : i32
      %dma_wait3A_222 = tpu.memref_slice %arg9[%while3A_205, %dma_wait3A_221] : memref<160x128xi32, #tpu.memory_space<vmem>> -> memref<1x64xi32, #tpu.memory_space<vmem>>
      %dma_wait3A_223 = tpu.memref_squeeze %dma_wait3A_222 : memref<1x64xi32, #tpu.memory_space<vmem>> -> memref<64xi32, #tpu.memory_space<vmem>>
      %dma_wait3A_224 = arith.constant 0 : i32
      %dma_wait3A_225 = arith.constant 0 : i32
      %dma_wait3A_226 = tpu.memref_slice %arg2[%dma_wait3A_224, %dma_wait3A_225] : memref<10000x128xf32, #tpu.memory_space<hbm>> -> memref<10000x128xf32, #tpu.memory_space<hbm>>
      tpu.wait_indirect_dma semaphore(%arg18 : memref<!tpu.dma_semaphore, #tpu.memory_space<semaphore_mem>>) src(%dma_wait3A_226 : memref<10000x128xf32, #tpu.memory_space<hbm>>) dst(%dma_wait3A_220 : memref<64x128xf32, #tpu.memory_space<vmem>>)
      %gt3A_227 = arith.constant 0 : i32
      %gt3A_228 = arith.cmpi sgt, %while3A_205, %gt3A_227 : i32
      %convert_element_type3A_229 = arith.extui %gt3A_228 : i1 to i32
      %cond3A_230 = arith.constant 0 : i32
      %cond3A_231 = arith.cmpi ne, %convert_element_type3A_229, %cond3A_230 : i32
      scf.if %cond3A_231 {
        %sub3A_247 = arith.constant 1 : i32
        %sub3A_248 = arith.subi %sub3A_247, %and3A_207 : i32
        %sub3A_249 = arith.constant 1 : i32
        %sub3A_250 = arith.subi %while3A_205, %sub3A_249 : i32
        %dma_wait3A_251 = arith.constant 0 : i32
        %dma_wait3A_252 = arith.constant 0 : i32
        %dma_wait3A_253 = tpu.memref_slice %arg11[%sub3A_248, %dma_wait3A_251, %dma_wait3A_252] : memref<2x128x128xf32, #tpu.memory_space<vmem>> -> memref<1x128x128xf32, #tpu.memory_space<vmem>>
        %dma_wait3A_254 = tpu.memref_squeeze %dma_wait3A_253 : memref<1x128x128xf32, #tpu.memory_space<vmem>> -> memref<128x128xf32, #tpu.memory_space<vmem>>
        %dma_wait3A_255 = arith.constant 0 : i32
        %dma_wait3A_256 = tpu.memref_slice %arg10[%sub3A_250, %dma_wait3A_255] : memref<160x128xi32, #tpu.memory_space<vmem>> -> memref<1x128xi32, #tpu.memory_space<vmem>>
        %dma_wait3A_257 = tpu.memref_squeeze %dma_wait3A_256 : memref<1x128xi32, #tpu.memory_space<vmem>> -> memref<128xi32, #tpu.memory_space<vmem>>
        %dma_wait3A_258 = arith.constant 0 : i32
        %dma_wait3A_259 = arith.constant 0 : i32
        %dma_wait3A_260 = tpu.memref_slice %arg14[%dma_wait3A_258, %dma_wait3A_259] : memref<5248x128xf32, #tpu.memory_space<vmem_shared>> -> memref<5248x128xf32, #tpu.memory_space<vmem_shared>>
        tpu.wait_indirect_dma semaphore(%arg17 : memref<!tpu.dma_semaphore, #tpu.memory_space<semaphore_mem>>) src(%dma_wait3A_254 : memref<128x128xf32, #tpu.memory_space<vmem>>) dst(%dma_wait3A_260 : memref<5248x128xf32, #tpu.memory_space<vmem_shared>>)
      } else {
      }
      %dma_start3A = arith.constant 0 : i32
      %dma_start3A_232 = arith.constant 0 : i32
      %dma_start3A_233 = tpu.memref_slice %arg11[%and3A_207, %dma_start3A, %dma_start3A_232] : memref<2x128x128xf32, #tpu.memory_space<vmem>> -> memref<1x128x128xf32, #tpu.memory_space<vmem>>
      %dma_start3A_234 = tpu.memref_squeeze %dma_start3A_233 : memref<1x128x128xf32, #tpu.memory_space<vmem>> -> memref<128x128xf32, #tpu.memory_space<vmem>>
      %dma_start3A_235 = arith.constant 0 : i32
      %dma_start3A_236 = tpu.memref_slice %arg10[%while3A_205, %dma_start3A_235] : memref<160x128xi32, #tpu.memory_space<vmem>> -> memref<1x128xi32, #tpu.memory_space<vmem>>
      %dma_start3A_237 = tpu.memref_squeeze %dma_start3A_236 : memref<1x128xi32, #tpu.memory_space<vmem>> -> memref<128xi32, #tpu.memory_space<vmem>>
      %dma_start3A_238 = arith.constant 0 : i32
      %dma_start3A_239 = arith.constant 0 : i32
      %dma_start3A_240 = tpu.memref_slice %arg14[%dma_start3A_238, %dma_start3A_239] : memref<5248x128xf32, #tpu.memory_space<vmem_shared>> -> memref<5248x128xf32, #tpu.memory_space<vmem_shared>>
      tpu.enqueue_indirect_dma source(%dma_start3A_234 : memref<128x128xf32, #tpu.memory_space<vmem>>) target(%dma_start3A_240 : memref<5248x128xf32, #tpu.memory_space<vmem_shared>>) offsets(%dma_start3A_237 : memref<128xi32, #tpu.memory_space<vmem>>) semaphore(%arg17 : memref<!tpu.dma_semaphore, #tpu.memory_space<semaphore_mem>>) {add = true}
      %sub3A_241 = arith.constant 1 : i32
      %sub3A_242 = arith.subi %shift_right_logical3A_176, %sub3A_241 : i32
      %lt3A_243 = arith.cmpi slt, %while3A_205, %sub3A_242 : i32
      %convert_element_type3A_244 = arith.extui %lt3A_243 : i1 to i32
      %cond3A_245 = arith.constant 0 : i32
      %cond3A_246 = arith.cmpi ne, %convert_element_type3A_244, %cond3A_245 : i32
      scf.if %cond3A_246 {
        %add3A_247 = arith.constant 1 : i32
        %add3A_248 = arith.addi %while3A_205, %add3A_247 : i32
        %sub3A_249 = arith.constant 1 : i32
        %sub3A_250 = arith.subi %sub3A_249, %and3A_207 : i32
        %dma_start3A_251 = arith.constant 0 : i32
        %dma_start3A_252 = arith.constant 0 : i32
        %dma_start3A_253 = tpu.memref_slice %arg11[%sub3A_250, %dma_start3A_251, %dma_start3A_252] : memref<2x128x128xf32, #tpu.memory_space<vmem>> -> memref<1x64x128xf32, #tpu.memory_space<vmem>>
        %dma_start3A_254 = tpu.memref_squeeze %dma_start3A_253 : memref<1x64x128xf32, #tpu.memory_space<vmem>> -> memref<64x128xf32, #tpu.memory_space<vmem>>
        %dma_start3A_255 = arith.constant 0 : i32
        %dma_start3A_256 = tpu.memref_slice %arg9[%add3A_248, %dma_start3A_255] : memref<160x128xi32, #tpu.memory_space<vmem>> -> memref<1x64xi32, #tpu.memory_space<vmem>>
        %dma_start3A_257 = tpu.memref_squeeze %dma_start3A_256 : memref<1x64xi32, #tpu.memory_space<vmem>> -> memref<64xi32, #tpu.memory_space<vmem>>
        %dma_start3A_258 = arith.constant 0 : i32
        %dma_start3A_259 = arith.constant 0 : i32
        %dma_start3A_260 = tpu.memref_slice %arg2[%dma_start3A_258, %dma_start3A_259] : memref<10000x128xf32, #tpu.memory_space<hbm>> -> memref<10000x128xf32, #tpu.memory_space<hbm>>
        tpu.enqueue_indirect_dma source(%dma_start3A_260 : memref<10000x128xf32, #tpu.memory_space<hbm>>) target(%dma_start3A_254 : memref<64x128xf32, #tpu.memory_space<vmem>>) offsets(%dma_start3A_257 : memref<64xi32, #tpu.memory_space<vmem>>) semaphore(%arg16 : memref<!tpu.dma_semaphore, #tpu.memory_space<semaphore_mem>>)
        %dma_start3A_261 = arith.constant 64 : i32
        %dma_start3A_262 = arith.constant 0 : i32
        %dma_start3A_263 = tpu.memref_slice %arg11[%sub3A_250, %dma_start3A_261, %dma_start3A_262] : memref<2x128x128xf32, #tpu.memory_space<vmem>> -> memref<1x64x128xf32, #tpu.memory_space<vmem>>
        %dma_start3A_264 = tpu.memref_squeeze %dma_start3A_263 : memref<1x64x128xf32, #tpu.memory_space<vmem>> -> memref<64x128xf32, #tpu.memory_space<vmem>>
        %dma_start3A_265 = arith.constant 64 : i32
        %dma_start3A_266 = tpu.memref_slice %arg9[%add3A_248, %dma_start3A_265] : memref<160x128xi32, #tpu.memory_space<vmem>> -> memref<1x64xi32, #tpu.memory_space<vmem>>
        %dma_start3A_267 = tpu.memref_squeeze %dma_start3A_266 : memref<1x64xi32, #tpu.memory_space<vmem>> -> memref<64xi32, #tpu.memory_space<vmem>>
        %dma_start3A_268 = arith.constant 0 : i32
        %dma_start3A_269 = arith.constant 0 : i32
        %dma_start3A_270 = tpu.memref_slice %arg2[%dma_start3A_268, %dma_start3A_269] : memref<10000x128xf32, #tpu.memory_space<hbm>> -> memref<10000x128xf32, #tpu.memory_space<hbm>>
        tpu.enqueue_indirect_dma source(%dma_start3A_270 : memref<10000x128xf32, #tpu.memory_space<hbm>>) target(%dma_start3A_264 : memref<64x128xf32, #tpu.memory_space<vmem>>) offsets(%dma_start3A_267 : memref<64xi32, #tpu.memory_space<vmem>>) semaphore(%arg18 : memref<!tpu.dma_semaphore, #tpu.memory_space<semaphore_mem>>)
      } else {
      }
    }
    %gt3A_190 = arith.constant 0 : i32
    %gt3A_191 = arith.cmpi sgt, %shift_right_logical3A_176, %gt3A_190 : i32
    %convert_element_type3A_192 = arith.extui %gt3A_191 : i1 to i32
    %cond3A_193 = arith.constant 0 : i32
    %cond3A_194 = arith.cmpi ne, %convert_element_type3A_192, %cond3A_193 : i32
    scf.if %cond3A_194 {
      %sub3A_205 = arith.constant 1 : i32
      %sub3A_206 = arith.subi %shift_right_logical3A_176, %sub3A_205 : i32
      %and3A_207 = arith.constant 1 : i32
      %and3A_208 = arith.andi %sub3A_206, %and3A_207 : i32
      %sub3A_209 = arith.constant 1 : i32
      %sub3A_210 = arith.subi %shift_right_logical3A_176, %sub3A_209 : i32
      %dma_wait3A = arith.constant 0 : i32
      %dma_wait3A_211 = arith.constant 0 : i32
      %dma_wait3A_212 = tpu.memref_slice %arg11[%and3A_208, %dma_wait3A, %dma_wait3A_211] : memref<2x128x128xf32, #tpu.memory_space<vmem>> -> memref<1x128x128xf32, #tpu.memory_space<vmem>>
      %dma_wait3A_213 = tpu.memref_squeeze %dma_wait3A_212 : memref<1x128x128xf32, #tpu.memory_space<vmem>> -> memref<128x128xf32, #tpu.memory_space<vmem>>
      %dma_wait3A_214 = arith.constant 0 : i32
      %dma_wait3A_215 = tpu.memref_slice %arg10[%sub3A_210, %dma_wait3A_214] : memref<160x128xi32, #tpu.memory_space<vmem>> -> memref<1x128xi32, #tpu.memory_space<vmem>>
      %dma_wait3A_216 = tpu.memref_squeeze %dma_wait3A_215 : memref<1x128xi32, #tpu.memory_space<vmem>> -> memref<128xi32, #tpu.memory_space<vmem>>
      %dma_wait3A_217 = arith.constant 0 : i32
      %dma_wait3A_218 = arith.constant 0 : i32
      %dma_wait3A_219 = tpu.memref_slice %arg14[%dma_wait3A_217, %dma_wait3A_218] : memref<5248x128xf32, #tpu.memory_space<vmem_shared>> -> memref<5248x128xf32, #tpu.memory_space<vmem_shared>>
      tpu.wait_indirect_dma semaphore(%arg17 : memref<!tpu.dma_semaphore, #tpu.memory_space<semaphore_mem>>) src(%dma_wait3A_213 : memref<128x128xf32, #tpu.memory_space<vmem>>) dst(%dma_wait3A_219 : memref<5248x128xf32, #tpu.memory_space<vmem_shared>>)
    } else {
    }
    "tpu.region"() ({
      %run_scoped3A = tpu.sem_alloc : memref<!tpu.dma_semaphore, #tpu.memory_space<semaphore_mem>>
      %dma_start3A = arith.constant 0 : i32
      %dma_start3A_205 = arith.constant 0 : i32
      %dma_start3A_206 = tpu.memref_slice %arg15[%dma_start3A, %dma_start3A_205] : memref<48x128xf32, #tpu.memory_space<vmem_shared>> -> memref<48x128xf32, #tpu.memory_space<vmem_shared>>
      tpu.enqueue_indirect_dma source(%arg12 : memref<48x128xf32, #tpu.memory_space<vmem>>) target(%dma_start3A_206 : memref<48x128xf32, #tpu.memory_space<vmem_shared>>) offsets(%arg13 : memref<48xi32, #tpu.memory_space<vmem>>) semaphore(%run_scoped3A : memref<!tpu.dma_semaphore, #tpu.memory_space<semaphore_mem>>) {add = true}
      %dma_wait3A = arith.constant 0 : i32
      %dma_wait3A_207 = arith.constant 0 : i32
      %dma_wait3A_208 = tpu.memref_slice %arg15[%dma_wait3A, %dma_wait3A_207] : memref<48x128xf32, #tpu.memory_space<vmem_shared>> -> memref<48x128xf32, #tpu.memory_space<vmem_shared>>
      tpu.wait_indirect_dma semaphore(%run_scoped3A : memref<!tpu.dma_semaphore, #tpu.memory_space<semaphore_mem>>) src(%arg12 : memref<48x128xf32, #tpu.memory_space<vmem>>) dst(%dma_wait3A_208 : memref<48x128xf32, #tpu.memory_space<vmem_shared>>)
      tpu.yield
    }) : () -> ()
    %barrier3A_195 = arith.constant 0 : index
    tpu.barrier barrier_id(%barrier3A_195)
    %mul3A_196 = arith.constant 320 : i32
    %mul3A_197 = arith.muli %arg1, %mul3A_196 : i32
    %mul3A_198 = arith.constant 320 : i32
    %mul3A_199 = arith.muli %arg1, %mul3A_198 : i32
    "tpu.region"() ({
      %run_scoped3A = tpu.sem_alloc : memref<!tpu.dma_semaphore, #tpu.memory_space<semaphore_mem>>
      %dma_start3A = arith.constant 0 : i32
      %dma_start3A_205 = tpu.memref_slice %arg7[%arg0, %mul3A_199, %dma_start3A] : memref<2x5120x128xf32, #tpu.memory_space<hbm>> -> memref<1x320x128xf32, #tpu.memory_space<hbm>>
      %dma_start3A_206 = tpu.memref_squeeze %dma_start3A_205 : memref<1x320x128xf32, #tpu.memory_space<hbm>> -> memref<320x128xf32, #tpu.memory_space<hbm>>
      %dma_start3A_207 = arith.constant 0 : i32
      %dma_start3A_208 = tpu.memref_slice %arg14[%mul3A_197, %dma_start3A_207] : memref<5248x128xf32, #tpu.memory_space<vmem_shared>> -> memref<320x128xf32, #tpu.memory_space<vmem_shared>>
      tpu.enqueue_dma source(%dma_start3A_208 : memref<320x128xf32, #tpu.memory_space<vmem_shared>>) target(%dma_start3A_206 : memref<320x128xf32, #tpu.memory_space<hbm>>) target_semaphore(%run_scoped3A : memref<!tpu.dma_semaphore, #tpu.memory_space<semaphore_mem>>)
      %dma_wait3A = arith.constant 0 : i32
      %dma_wait3A_209 = tpu.memref_slice %arg7[%arg0, %mul3A_199, %dma_wait3A] : memref<2x5120x128xf32, #tpu.memory_space<hbm>> -> memref<1x320x128xf32, #tpu.memory_space<hbm>>
      %dma_wait3A_210 = tpu.memref_squeeze %dma_wait3A_209 : memref<1x320x128xf32, #tpu.memory_space<hbm>> -> memref<320x128xf32, #tpu.memory_space<hbm>>
      %dma_wait3A_211 = arith.constant 0 : i32
      %dma_wait3A_212 = tpu.memref_slice %arg14[%mul3A_197, %dma_wait3A_211] : memref<5248x128xf32, #tpu.memory_space<vmem_shared>> -> memref<320x128xf32, #tpu.memory_space<vmem_shared>>
      tpu.wait_dma2 semaphore(%run_scoped3A : memref<!tpu.dma_semaphore, #tpu.memory_space<semaphore_mem>>) src(%dma_wait3A_212 : memref<320x128xf32, #tpu.memory_space<vmem_shared>>) dst(%dma_wait3A_210 : memref<320x128xf32, #tpu.memory_space<hbm>>)
      tpu.yield
    }) : () -> ()
    %eq3A_200 = arith.constant 0 : i32
    %eq3A_201 = arith.cmpi eq, %arg1, %eq3A_200 : i32
    %convert_element_type3A_202 = arith.extui %eq3A_201 : i1 to i32
    %cond3A_203 = arith.constant 0 : i32
    %cond3A_204 = arith.cmpi ne, %convert_element_type3A_202, %cond3A_203 : i32
    scf.if %cond3A_204 {
      "tpu.region"() ({
        %run_scoped3A = tpu.sem_alloc : memref<!tpu.dma_semaphore, #tpu.memory_space<semaphore_mem>>
        %dma_start3A = arith.constant 0 : i32
        %dma_start3A_205 = arith.constant 0 : i32
        %dma_start3A_206 = tpu.memref_slice %arg8[%arg0, %dma_start3A, %dma_start3A_205] : memref<2x48x128xf32, #tpu.memory_space<hbm>> -> memref<1x48x128xf32, #tpu.memory_space<hbm>>
        %dma_start3A_207 = tpu.memref_squeeze %dma_start3A_206 : memref<1x48x128xf32, #tpu.memory_space<hbm>> -> memref<48x128xf32, #tpu.memory_space<hbm>>
        tpu.enqueue_dma source(%arg15 : memref<48x128xf32, #tpu.memory_space<vmem_shared>>) target(%dma_start3A_207 : memref<48x128xf32, #tpu.memory_space<hbm>>) target_semaphore(%run_scoped3A : memref<!tpu.dma_semaphore, #tpu.memory_space<semaphore_mem>>)
        %dma_wait3A = arith.constant 0 : i32
        %dma_wait3A_208 = arith.constant 0 : i32
        %dma_wait3A_209 = tpu.memref_slice %arg8[%arg0, %dma_wait3A, %dma_wait3A_208] : memref<2x48x128xf32, #tpu.memory_space<hbm>> -> memref<1x48x128xf32, #tpu.memory_space<hbm>>
        %dma_wait3A_210 = tpu.memref_squeeze %dma_wait3A_209 : memref<1x48x128xf32, #tpu.memory_space<hbm>> -> memref<48x128xf32, #tpu.memory_space<hbm>>
        tpu.wait_dma2 semaphore(%run_scoped3A : memref<!tpu.dma_semaphore, #tpu.memory_space<semaphore_mem>>) src(%arg15 : memref<48x128xf32, #tpu.memory_space<vmem_shared>>) dst(%dma_wait3A_210 : memref<48x128xf32, #tpu.memory_space<hbm>>)
        tpu.yield
      }) : () -> ()
    } else {
    }
    return
  }
}

module attributes {stable_mosaic.version = 14 : i64} {
  func.func @_logmap_body(%arg0: i32, %arg1: memref<1000x128xf32, #tpu.memory_space<vmem>>, %arg2: memref<1000x128xf32, #tpu.memory_space<vmem>>) attributes {dimension_semantics = [#tpu.dimension_semantics<arbitrary>], iteration_bounds = array<i64: 10>, scalar_prefetch = 0 : i64, scratch_operands = 0 : i64, tpu.core_type = #tpu.core_type<tc>, window_params = [{transform_indices = @transform_0, window_bounds = array<i64: 1000, 128>}, {transform_indices = @transform_1, window_bounds = array<i64: 1000, 128>}]} {
    %get3A = arith.constant 0 : index
    %get3A_0 = arith.constant 0 : index
    %get3A_1 = vector.load %arg1[%get3A, %get3A_0] : memref<1000x128xf32, #tpu.memory_space<vmem>>, vector<1000x128xf32>
    %mul3A = arith.mulf %get3A_1, %get3A_1 : vector<1000x128xf32>
    %reduce_sum3A = arith.constant dense<0.000000e+00> : vector<1000xf32>
    %reduce_sum3A_2 = vector.multi_reduction <add>, %mul3A, %reduce_sum3A [1] : vector<1000x128xf32> to vector<1000xf32>
    %broadcast_in_dim3A = vector.shape_cast %reduce_sum3A_2 : vector<1000xf32> to vector<1000x1xf32>
    %sqrt3A = math.sqrt %broadcast_in_dim3A : vector<1000x1xf32>
    %max3A = arith.constant 1.000000e-15 : f32
    %max3A_3 = vector.broadcast %max3A : f32 to vector<1000x1xf32>
    %max3A_4 = arith.maximumf %sqrt3A, %max3A_3 : vector<1000x1xf32>
    %jit3A = arith.constant -0.99999988 : f32
    %jit3A_5 = arith.constant 0.99999988 : f32
    %max3A_6 = vector.broadcast %jit3A : f32 to vector<1000x1xf32>
    %max3A_7 = arith.maximumf %max3A_6, %max3A_4 : vector<1000x1xf32>
    %min3A = vector.broadcast %jit3A_5 : f32 to vector<1000x1xf32>
    %min3A_8 = arith.minimumf %min3A, %max3A_7 : vector<1000x1xf32>
    %add3A = arith.constant 1.000000e+00 : f32
    %add3A_9 = vector.broadcast %add3A : f32 to vector<1000x1xf32>
    %add3A_10 = arith.addf %add3A_9, %min3A_8 : vector<1000x1xf32>
    %sub3A = arith.constant 1.000000e+00 : f32
    %sub3A_11 = vector.broadcast %sub3A : f32 to vector<1000x1xf32>
    %sub3A_12 = arith.subf %sub3A_11, %min3A_8 : vector<1000x1xf32>
    %div3A = arith.divf %add3A_10, %sub3A_12 : vector<1000x1xf32>
    %log3A = math.log %div3A : vector<1000x1xf32>
    %mul3A_13 = arith.constant 5.000000e-01 : f32
    %mul3A_14 = vector.broadcast %mul3A_13 : f32 to vector<1000x1xf32>
    %mul3A_15 = arith.mulf %mul3A_14, %log3A : vector<1000x1xf32>
    %div3A_16 = arith.divf %mul3A_15, %max3A_4 : vector<1000x1xf32>
    %mul3A_17 = vector.broadcast %div3A_16 : vector<1000x1xf32> to vector<1000x128xf32>
    %mul3A_18 = arith.mulf %mul3A_17, %get3A_1 : vector<1000x128xf32>
    %swap3A = arith.constant 0 : index
    %swap3A_19 = arith.constant 0 : index
    %swap3A_20 = vector.load %arg2[%swap3A, %swap3A_19] : memref<1000x128xf32, #tpu.memory_space<vmem>>, vector<1000x128xf32>
    tpu.vector_store %arg2[%swap3A, %swap3A_19], %mul3A_18 {strides = array<i32>} : memref<1000x128xf32, #tpu.memory_space<vmem>>, vector<1000x128xf32>,
    return
  }
  func.func @transform_0(%arg0: i32) -> (i32, i32) {
    %c0_i32 = arith.constant 0 : i32
    %c0_i32_0 = arith.constant 0 : i32
    return %arg0, %c0_i32 : i32, i32
  }
  func.func @transform_1(%arg0: i32) -> (i32, i32) {
    %c0_i32 = arith.constant 0 : i32
    %c0_i32_0 = arith.constant 0 : i32
    return %arg0, %c0_i32 : i32, i32
  }
}

module attributes {stable_mosaic.version = 14 : i64} {
  func.func @_final_body(%arg0: i32, %arg1: memref<1000x128xf32, #tpu.memory_space<vmem>>, %arg2: memref<1000x1xf32, #tpu.memory_space<vmem>>, %arg3: memref<1000x128xf32, #tpu.memory_space<vmem>>) attributes {dimension_semantics = [#tpu.dimension_semantics<arbitrary>], iteration_bounds = array<i64: 10>, scalar_prefetch = 0 : i64, scratch_operands = 0 : i64, tpu.core_type = #tpu.core_type<tc>, window_params = [{transform_indices = @transform_0, window_bounds = array<i64: 1000, 128>}, {transform_indices = @transform_1, window_bounds = array<i64: 1000, 1>}, {transform_indices = @transform_2, window_bounds = array<i64: 1000, 128>}]} {
    %get3A = arith.constant 0 : index
    %get3A_0 = arith.constant 0 : index
    %get3A_1 = vector.load %arg1[%get3A, %get3A_0] : memref<1000x128xf32, #tpu.memory_space<vmem>>, vector<1000x128xf32>
    %get3A_2 = arith.constant 0 : index
    %get3A_3 = arith.constant 0 : index
    %get3A_4 = vector.load %arg2[%get3A_2, %get3A_3] : memref<1000x1xf32, #tpu.memory_space<vmem>>, vector<1000x1xf32>
    %max3A = arith.constant 1.000000e+00 : f32
    %max3A_5 = vector.broadcast %max3A : f32 to vector<1000x1xf32>
    %max3A_6 = arith.maximumf %get3A_4, %max3A_5 : vector<1000x1xf32>
    %div3A = vector.broadcast %max3A_6 : vector<1000x1xf32> to vector<1000x128xf32>
    %div3A_7 = arith.divf %get3A_1, %div3A : vector<1000x128xf32>
    %mul3A = arith.mulf %div3A_7, %div3A_7 : vector<1000x128xf32>
    %reduce_sum3A = arith.constant dense<0.000000e+00> : vector<1000xf32>
    %reduce_sum3A_8 = vector.multi_reduction <add>, %mul3A, %reduce_sum3A [1] : vector<1000x128xf32> to vector<1000xf32>
    %broadcast_in_dim3A = vector.shape_cast %reduce_sum3A_8 : vector<1000xf32> to vector<1000x1xf32>
    %sqrt3A = math.sqrt %broadcast_in_dim3A : vector<1000x1xf32>
    %max3A_9 = arith.constant 1.000000e-15 : f32
    %max3A_10 = vector.broadcast %max3A_9 : f32 to vector<1000x1xf32>
    %max3A_11 = arith.maximumf %sqrt3A, %max3A_10 : vector<1000x1xf32>
    %tanh3A = math.tanh %max3A_11 : vector<1000x1xf32>
    %mul3A_12 = vector.broadcast %tanh3A : vector<1000x1xf32> to vector<1000x128xf32>
    %mul3A_13 = arith.mulf %mul3A_12, %div3A_7 : vector<1000x128xf32>
    %div3A_14 = vector.broadcast %max3A_11 : vector<1000x1xf32> to vector<1000x128xf32>
    %div3A_15 = arith.divf %mul3A_13, %div3A_14 : vector<1000x128xf32>
    %mul3A_16 = arith.mulf %div3A_15, %div3A_15 : vector<1000x128xf32>
    %reduce_sum3A_17 = arith.constant dense<0.000000e+00> : vector<1000xf32>
    %reduce_sum3A_18 = vector.multi_reduction <add>, %mul3A_16, %reduce_sum3A_17 [1] : vector<1000x128xf32> to vector<1000xf32>
    %broadcast_in_dim3A_19 = vector.shape_cast %reduce_sum3A_18 : vector<1000xf32> to vector<1000x1xf32>
    %sqrt3A_20 = math.sqrt %broadcast_in_dim3A_19 : vector<1000x1xf32>
    %max3A_21 = arith.constant 1.000000e-15 : f32
    %max3A_22 = vector.broadcast %max3A_21 : f32 to vector<1000x1xf32>
    %max3A_23 = arith.maximumf %sqrt3A_20, %max3A_22 : vector<1000x1xf32>
    %gt3A = arith.constant 0.995999991 : f32
    %gt3A_24 = vector.broadcast %gt3A : f32 to vector<1000x1xf32>
    %gt3A_25 = arith.cmpf ogt, %max3A_23, %gt3A_24 : vector<1000x1xf32>
    %div3A_26 = vector.broadcast %max3A_23 : vector<1000x1xf32> to vector<1000x128xf32>
    %div3A_27 = arith.divf %div3A_15, %div3A_26 : vector<1000x128xf32>
    %mul3A_28 = arith.constant 0.995999991 : f32
    %mul3A_29 = vector.broadcast %mul3A_28 : f32 to vector<1000x128xf32>
    %mul3A_30 = arith.mulf %div3A_27, %mul3A_29 : vector<1000x128xf32>
    %broadcast_in_dim3A_31 = vector.shape_cast %gt3A_25 : vector<1000x1xi1> to vector<1000x1xi1>
    %broadcast_in_dim3A_32 = vector.broadcast %broadcast_in_dim3A_31 : vector<1000x1xi1> to vector<1000x128xi1>
    %select_n3A = arith.select %broadcast_in_dim3A_32, %mul3A_30, %div3A_15 : vector<1000x128xi1>, vector<1000x128xf32>
    %swap3A = arith.constant 0 : index
    %swap3A_33 = arith.constant 0 : index
    %swap3A_34 = vector.load %arg3[%swap3A, %swap3A_33] : memref<1000x128xf32, #tpu.memory_space<vmem>>, vector<1000x128xf32>
    tpu.vector_store %arg3[%swap3A, %swap3A_33], %select_n3A {strides = array<i32>} : memref<1000x128xf32, #tpu.memory_space<vmem>>, vector<1000x128xf32>,
    return
  }
  func.func @transform_0(%arg0: i32) -> (i32, i32) {
    %c0_i32 = arith.constant 0 : i32
    %c0_i32_0 = arith.constant 0 : i32
    return %arg0, %c0_i32 : i32, i32
  }
  func.func @transform_1(%arg0: i32) -> (i32, i32) {
    %c0_i32 = arith.constant 0 : i32
    %c0_i32_0 = arith.constant 0 : i32
    return %arg0, %c0_i32 : i32, i32
  }
  func.func @transform_2(%arg0: i32) -> (i32, i32) {
    %c0_i32 = arith.constant 0 : i32
    %c0_i32_0 = arith.constant 0 : i32
    return %arg0, %c0_i32 : i32, i32
  }
}

</mosaic_0001>

<sc_bundles>
// kernel: kernel.5.cloned.1.call-start
scs
__scs_entry_jumppad:
0x0: {  	(pc) =	sbr.rel $0x88, $3  }
0x1: {  	(tag) =	ssettag $0x0;
	lr =	simm.s32 $0x1  }
0x2: {  	[smem:$0x3F9F] =	sst lr;
	_ =	strace $0xD0000000  }
0x3: {  	_ = 	snop  }
0x4: {  	_ = 	snop  }
0x5: {  	_ = 	snop  }
0x6: {  	_ = 	snop  }
0x7: {  	_ = 	snop  }
__scs_overlays_trampoline_lowered:
0x8: {  	[smem:$0x3FAE] =	sst s0  }
0x9: {  	[smem:$0x3FAF] =	sst s1  }
0xa: {  	[smem:$0x3FB0] =	sst s2  }
0xb: {  	[smem:$0x3FB1] =	sst s3  }
0xc: {  	[smem:$0x3FB2] =	sst s4  }
0xd: {  	[smem:$0x3FB3] =	sst s5  }
0xe: {  	[smem:$0x3FB4] =	sst s6  }
0xf: {  	[smem:$0x3FB5] =	sst s7  }
0x10: {  	[smem:$0x3FB6] =	sst s8  }
0x11: {  	[smem:$0x3FB7] =	sst s9;
	s0 =	simm.s32 @!p0 $0x0  }
0x12: {  	s1 =	sld [smem:$0x3F9D];
	s0 =	simm.s32 @p0 $0x1  }
0x13: {  	[smem:$0x3FB8] =	sst s0;
	s0 =	simm.s32 @!p1 $0x0  }
0x14: {  	s2 =	sld [smem:$0x3F9C];
	s0 =	simm.s32 @p1 $0x1  }
0x15: {  	[smem:$0x3FB9] =	sst s0;
	s0 =	simm.s32 @!p2 $0x0  }
0x16: {  	s3 =	sld [smem:$0x3FDB];
	s0 =	simm.s32 @p2 $0x1  }
0x17: {  	s4 =	simm.s32 $0x1BF5;
	[smem:$0x3FBB] =	sst s0  }
0x18: {  	s0 =	sld [smem:$0x3F9E];
	_ =	swait.ge [sflag:s4], $0x0  }
0x19: {  	s7 =	sld [smem:$0x3F9F]  }
0x1a: {  	s8 =	sadd.s32 $0xFFFFE003, lr  }
0x1b: {  	s9 =	sadd.s32 $0xFFFFFEF7, lr;
	s5 =	simm.s32 $0xFFFFFFFF;
	p2 =	slt.u32 s8, $0xFFFFF086  }
0x1c: {  	p1 =	slt.u32 s9, $0xF7A;
	s5 =	simm.s32 @!p2 $0x0  }
0x1d: {  	s5 =	simm.s32 @p1 $0x1;
	p0 =	seq.s32 s7, s2  }
0x1e: {  	s7 =	smul.u32 @!p0 $0xF7A, s2;
	p2 =	seq.s32 @!p0 s5, $0x0  }
0x1f: {  	s9 =	smul.u32 $0xF7A, s1;
	s8 =	simm.s32 @!p0 $0x1BF5;
	p2 =	por !p2, p0  }
0x20: {  	[sflag:s8] =	ssyncset.s32 @!p0 $0xFFFFF086;
	s6 =	sadd.s32 @!p0 s3, s7;
	s7 =	simm.s32 @!p0 $0x108  }
0x21: {  	s3 =	sadd.s32 s3, s9;
	s6 =	sadd.s32 @!p0 $0x88, s6;
	s7 =	simm.s32 @p2 $0x1082  }
0x22: {  	[simem:s7], [sflag:s8] =	dma.local @!p0 [hbm:s6], $0xF7A  }
0x23: {  	s9 =	sor.u32 $0xD0000000, s2;
	s6 =	simm.s32 $0x108;
	_ =	swait.ge @!p0 [sflag:s8], $0x0  }
0x24: {  	s3 =	sadd.s32 $0x88, s3;
	s6 =	simm.s32 @!p1 $0x1082;
	[sflag:s4] =	ssyncset.s32 $0xFFFFF086  }
0x25: {  	[simem:s6], [sflag:s4] =	dma.local [hbm:s3], $0xF7A  }
0x26: {  	[smem:$0x3F9F] =	sst s1;
	(tag) =	ssettag s2;
	_ =	strace s9  }
0x27: {  	s1 =	sld [smem:$0x3FAF]  }
0x28: {  	s2 =	sld [smem:$0x3FB0]  }
0x29: {  	s4 =	sld [smem:$0x3FB2]  }
0x2a: {  	p0 =	seq.s32 s5, $0x0;
	s5 =	sld [smem:$0x3FB3]  }
0x2b: {  	s6 =	sld [smem:$0x3FB4]  }
0x2c: {  	s7 =	sld [smem:$0x3FB5]  }
0x2d: {  	s3 =	simm.s32 $0x108;
	s8 =	sld [smem:$0x3FB6]  }
0x2e: {  	s3 =	simm.s32 @!p0 $0x1082;
	s9 =	sld [smem:$0x3FB7]  }
0x2f: {  	lr =	sadd.s32 s0, s3;
	s0 =	sld [smem:$0x3FAE]  }
0x30: {  	s3 =	sld [smem:$0x3FB1]  }
0x31: {  	[smem:$0x3FBA] =	sst s10  }
0x32: {  	s10 =	sld [smem:$0x3FB8];
	_ =	sdelay $0x3  }
0x33: {  	p0 =	seq.s32 s10, $0x1;
	s10 =	sld [smem:$0x3FBA];
	_ =	sdelay $0x3  }
0x34: {  	[smem:$0x3FBA] =	sst s10  }
0x35: {  	s10 =	sld [smem:$0x3FB9];
	_ =	sdelay $0x3  }
0x36: {  	p1 =	seq.s32 s10, $0x1;
	s10 =	sld [smem:$0x3FBA];
	_ =	sdelay $0x3  }
0x37: {  	[smem:$0x3FBA] =	sst s10  }
0x38: {  	s10 =	sld [smem:$0x3FBB]  }
0x39: {  	_ = 	snop;
	(pc) =	sbr.ind lr, $3  }
0x3a: {  	_ = 	snop  }
0x3b: {  	_ = 	snop  }
0x3c: {  	p2 =	seq.s32 s10, $0x1;
	s10 =	sld [smem:$0x3FBA]  }
0x3d: {  	_ =	shalt  }
0x3e: {  	_ =	shalt  }
0x3f: {  	_ =	shalt  }
0x40: {  	_ =	shalt  }
0x41: {  	_ =	shalt  }
0x42: {  	_ =	shalt  }
0x43: {  	_ =	shalt  }
0x44: {  	_ =	shalt  }
0x45: {  	_ =	shalt  }
0x46: {  	_ =	shalt  }
0x47: {  	_ =	shalt  }
0x48: {  	_ =	shalt  }
0x49: {  	_ =	shalt  }
0x4a: {  	_ =	shalt  }
0x4b: {  	_ =	shalt  }
0x4c: {  	_ =	shalt  }
0x4d: {  	_ =	shalt  }
0x4e: {  	_ =	shalt  }
0x4f: {  	_ =	shalt  }
0x50: {  	_ =	shalt  }
0x51: {  	_ =	shalt  }
0x52: {  	_ =	shalt  }
0x53: {  	_ =	shalt  }
0x54: {  	_ =	shalt  }
0x55: {  	_ =	shalt  }
0x56: {  	_ =	shalt  }
0x57: {  	_ =	shalt  }
0x58: {  	_ =	shalt  }
0x59: {  	_ =	shalt  }
0x5a: {  	_ =	shalt  }
0x5b: {  	_ =	shalt  }
0x5c: {  	_ =	shalt  }
0x5d: {  	_ =	shalt  }
0x5e: {  	_ =	shalt  }
0x5f: {  	_ =	shalt  }
0x60: {  	_ =	shalt  }
0x61: {  	_ =	shalt  }
0x62: {  	_ =	shalt  }
0x63: {  	_ =	shalt  }
0x64: {  	_ =	shalt  }
0x65: {  	_ =	shalt  }
0x66: {  	_ =	shalt  }
0x67: {  	_ =	shalt  }
0x68: {  	_ =	shalt  }
0x69: {  	_ =	shalt  }
0x6a: {  	_ =	shalt  }
0x6b: {  	_ =	shalt  }
0x6c: {  	_ =	shalt  }
0x6d: {  	_ =	shalt  }
0x6e: {  	_ =	shalt  }
0x6f: {  	_ =	shalt  }
0x70: {  	_ =	shalt  }
0x71: {  	_ =	shalt  }
0x72: {  	_ =	shalt  }
0x73: {  	_ =	shalt  }
0x74: {  	_ =	shalt  }
0x75: {  	_ =	shalt  }
0x76: {  	_ =	shalt  }
0x77: {  	_ =	shalt  }
0x78: {  	_ =	shalt  }
0x79: {  	_ =	shalt  }
0x7a: {  	_ =	shalt  }
0x7b: {  	_ =	shalt  }
0x7c: {  	_ =	shalt  }
0x7d: {  	_ =	shalt  }
0x7e: {  	_ =	shalt  }
0x7f: {  	_ =	shalt  }
0x80: {  	_ =	shalt  }
0x81: {  	_ =	shalt  }
0x82: {  	_ =	shalt  }
0x83: {  	_ =	shalt  }
0x84: {  	_ =	shalt  }
0x85: {  	_ =	shalt  }
0x86: {  	_ =	shalt  }
0x87: {  	_ =	shalt  }
.Lfunc_end0:
.L_simem_size_0:
called_computation_lowered:
.L_overlay_start_0:
0x88: {  	s2 =	sld [smem:$0x3FD9]  }
0x89: {  	s3 =	sld [smem:$0x3FFE];
	_ =	sdelay $0x1  }
0x8a: {  	s1 =	srdreg.scid  }
0x8b: {  	s0 =	sand.u32 $0x1, s1  }
0x8c: {  	s17 =	sshll.u32 s0, $0xA;
	s2 =	sadd.s32 s3, s2  }
0x8d: {  	s2 =	sadd.s32 s2, s17  }
0x8e: {  	[smem:$0x3FC6] =	sst s2  }
0x8f: {  	_ = 	snop  }
0x90: {  	s2 =	sld [smem:$0x3FD0];
	(tm) =	ssettm $0x1  }
0x91: {  	s18 =	sld [smem:$0x3FFB];
	_ =	sdelay $0x3  }
0x92: {  	_ =	strace s18  }
0x93: {  	s3 =	sld [smem:$0x3FFC];
	_ =	sdelay $0x3  }
0x94: {  	_ =	strace s3  }
0x95: {  	s3 =	sld [smem:$0x3FFD];
	_ =	sdelay $0x3  }
0x96: {  	_ =	strace s3  }
0x97: {  	_ =	strace $0x8FFFFFFF  }
0x98: {  	s19 =	sld [smem:$0x3FDB];
	_ =	sdelay $0x1  }
0x99: {  	s4 =	simm.s32 $_scs_section_size  }
0x9a: {  	s5 =	simm.s32 $_size__tile_overlayer_lowered;
	s6 =	simm.s32 $_tile_overlayer_lowered  }
0x9b: {  	s22 =	simm.s32 $0x1BFF;
	s21 =	sshll.u32 s6, $0x1;
	s3 =	sadd.s32 s4, s19  }
0x9c: {  	s7 =	simm.s32 $0x0;
	s20 =	sshll.u32 s5, $0x1;
	s5 =	sadd.s32 s21, s3  }
0x9d: {  	[timem:s7], [sflag:s22] =	dma.local [hbm:s5], s20  }
0x9e: {  	_ =	swait.ge [sflag:s22], s20  }
0x9f: {  	s4 =	ssub.s32 $0x0, s20;
	[sflag:s22] =	ssyncset.done $0x0  }
0xa0: {  	[sflag:s22] =	ssyncadd.s32 s4;
	_ =	sdelay $0x1  }
0xa1: {  	s23 =	simm.s32 $0x1B8B  }
0xa2: {  	_ =	swait.ge [sflag:s23], $0x1  }
0xa3: {  	[sflag:s23] =	ssyncset.done $0x0  }
0xa4: {  	s25 =	simm.s32 $0x1B8E;
	s24 =	sld [smem:$0x3FFE];
	[sflag:s23] =	ssyncadd.s32 $0xFFFFFFFF  }
0xa5: {  	s26 =	simm.s32 $execute0_lowered;
	[smem:$0x3FD2] =	sst s25  }
0xa6: {  	s5 =	sshll.u32 s26, $0x1;
	_ =	strace $0x80000046;
	[dreg:$0x1] =	wrdreg $0xFFFFFFFF  }
0xa7: {  	s28 =	simm.s32 $_size_execute0_lowered;
	s3 =	sadd.s32 s3, s5;
	[dreg:$0x0] =	wrdreg $0x0  }
0xa8: {  	s5 =	sshll.u32 s28, $0x1;
	[dreg:$0x2] =	wrdreg s3  }
0xa9: {  	[dreg:$0x3] =	wrdreg s5  }
0xaa: {  	[dreg:$0x4] =	wrdreg $0xC0  }
0xab: {  	_ =	task [dreg:s7], $0x5FFFF  }
0xac: {  	[dreg:$0x1] =	wrdreg $0xFFFFFFFF  }
0xad: {  	[dreg:$0x0] =	wrdreg $0x60  }
0xae: {  	[dreg:$0x2] =	wrdreg s2  }
0xaf: {  	[dreg:$0x3] =	wrdreg s24  }
0xb0: {  	[dreg:$0x4] =	wrdreg $0x138800  }
0xb1: {  	[dreg:$0x5] =	wrdreg $0x1DC800  }
0xb2: {  	[dreg:$0x6] =	wrdreg $0x9  }
0xb3: {  	_ =	task.clear_ibuf [dreg:s7], $0x7FFFF;
	_ =	strace $0x90000046  }
0xb4: {  	s29 =	simm.s32 $0x9;
	_ =	strace $0x80000048  }
0xb5: {  	_ =	swait.ge [sflag:s29], $0x1  }
0xb6: {  	[sflag:s29] =	ssyncadd.s32 $0xFFFFFFFF  }
0xb7: {  	_ =	strace $0x90000048  }
0xb8: {  	_ =	sfence  }
0xb9: {  	s30 =	sld [smem:$0x0];
	_ =	sdelay $0x2  }
0xba: {  	s31 =	sshll.u32 s1, $0xD;
	s1 =	sshrl.u32 s1, $0x2  }
0xbb: {  	s3 =	sand.u32 $0x4000, s31;
	s1 =	sadd.s32 s1, s30  }
0xbc: {  	s0 =	sor.u32 s3, s0;
	s1 =	sshll.u32 s1, $0x11  }
0xbd: {  	s0 =	sor.u32 s1, s0  }
0xbe: {  	s0 =	sadd.s32 $0x8F2B, s0  }
0xbf: {  	[sflag:s0] =	ssyncadd.remote.s32 $0x1  }
0xc0: {  	_ =	sfence.sel $0xFFFF  }
0xc1: {  	[dreg:$0x0] =	wrdreg $0xFFFFFFFF;
	(pc) =	sbr.abs _section_cstart, $3  }
0xc2: {  	[dreg:$0x1] =	wrdreg $0xFFFFFFFF  }
0xc3: {  	_ =	task.clear_ibuf [dreg:s7], $0x2FFFF;
	_ =	strace $0x9FFFFFFF  }
0xc4: {  	(tm) =	ssettm $0x7FFFFFFF  }
0xc5: {  	_ =	shalt  }
tec
execute0_lowered:
.L_overlay_start_1:
0x0: {  	(tag) =	ssettag $0x1  }
0x1: {  	s1 =	rddreg [dreg:$0x0]  }
0x2: {  	s0 =	rddreg [dreg:$0x1]  }
0x3: {  	s2 =	rddreg [dreg:$0x2]  }
0x4: {  	s19 =	rddreg [dreg:$0x3];
	s3 =	stileid.u32  }
0x5: {  	s5 =	srdreg.scid;
	s4 =	simm.s32 $0x0;
	s16 =	simm.s32 $0x13800  }
0x6: {  	s18 =	simm.s32 $0x5000;
	s22 =	simm.s32 $0x30;
	s6 =	smul.u32 $0xA00, s3  }
0x7: {  	s23 =	simm.s32 $0xA000;
	s31 =	simm.s32 $0xC000;
	s9 =	smul.u32 $0xA000, s3  }
0x8: {  	s28 =	simm.s32 $0x2;
	s7 =	sand.u32 $0x1, s5;
	s12 =	smul.u32 $0x29000, s3  }
0x9: {  	[smem:$0x7FF] =	sst s4;
	s5 =	sadd.s32 $0x14C00, s0;
	s29 =	smul.u32 $0x28000, s3  }
0xa: {  	s21 =	sadd.s32 $0x14A00, s0;
	s26 =	sshll.u32 s3, $0x6;
	s8 =	smul.u32 $0xA0000, s7  }
0xb: {  	p0 =	sne.s32 s3, $0x0;
	_ =	strace $0x80000047;
	s24 =	smul.u32 $0x300, s7  }
0xc: {  	s10 =	ssub.s32 $0x2, s7;
	s17 =	smul.u32 $0x1400, s7;
	s7 =	sor.u32 $0x1C04, s26  }
0xd: {  	s26 =	simm.s32 $0x80;
	s6 =	sadd.s32 s6, s0;
	s11 =	sshrl.u32 s10, $0x1  }
0xe: {  	s25 =	sshrl.u32 s12, $0x2;
	s30 =	sshrl.u32 s29, $0x2;
	s8 =	sadd.s32 s9, s8  }
0xf: {  	s14 =	ssub.s32 s10, s11;
	s15 =	sadd.s32 s25, s2;
	s9 =	sadd.s32 $0xAA00, s6  }
0x10: {  	v1 =	vmov s17;
	s17 =	sshrl.u32 @!p0 s19, $0x3;
	s25 =	simm.s32 $0x3;
	s8 =	sshrl.u32 s8, $0x3  }
.Ltmp0:
0x11: {  	v0 =	vlaneseq.u32;
	v3 =	vimm.s32 $0x0;
	s12 =	smax.u32 s14, $0x1;
	s14 =	simm.s32 $0x4;
	(pc) =	sbr.rel .LBB2_1-.Ltmp0, $4  }
0x12: {  	v4 =	vimm.f32 $1.000000000e+00;
	v5 =	vimm.s32 $0xF;
	vm0 =	vmmov $0x1;
	s13 =	sadd.s32 s8, s0;
	s0 =	sadd.s32 s24, s0;
	s8 =	sadd.s32 $0xA00, s6  }
0x13: {  	v2 =	vmul.u32 $0x40, v0;
	v6 =	vor.u32 $0x1400, v0;
	v7 =	vor.u32 $0x10, v0;
	s6 =	sadd.s32 s30, s2;
	s24 =	simm.s32 $0x1;
	s10 =	sadd.s32 $0x16800, s13  }
0x14: {  	v9 =	vor.u32 $0x1410, v0;
	v10 =	vor.u32 $0x20, v0;
	v12 =	vor.u32 $0x1420, v0;
	s11 =	sadd.s32 $0x16200, s0;
	s13 =	sshrl.u32 s15, $0x3;
	s15 =	simm.s32 $0x12000  }
0x15: {  	v13 =	vor.u32 $0x30, v0;
	v8 =	vor.u32 $0x400, v2;
	v11 =	vor.u32 $0x800, v2;
	s20 =	sshrl.u32 s6, $0x3;
	s6 =	simm.s32 $0x40;
	s0 =	simm.s32 $0x0  }
.LBB2_7:
0x16: {  	[tilespmem:s22], [sflag:$0x3] =	stream.indirect.gather @!p1 [hbm4b:s1+s19], $0x80, s6, s19, $0xb8;
	[tilespmem:$0x1DE00] =	vst v63  }
0x17: {  	s19 =	smov.u32 s21  }
0x18: {  	s21 =	smov.u32 s8;
	s8 =	smov.u32 s9;
	s9 =	smov.u32 s10  }
0x19: {  	s10 =	smov.u32 s16;
	s16 =	simm.s32 $0x13800;
	s22 =	simm.s32 $0x30  }
0x1a: {  	s6 =	simm.s32 $0x40;
	s23 =	simm.s32 $0xA000;
	s31 =	simm.s32 $0xC000  }
.LBB2_8:
0x1b: {  	_ =	swait.ge [sflag:s28], $0x4000  }
0x1c: {  	[sflag:s28] =	ssyncset.done $0x0  }
0x1d: {  	[sflag:s28] =	ssyncadd.s32 $0xFFFFC000  }
.LBB2_9:
0x1e: {  	[spmem:s19] =	stream.indirect.scatter.add.f32 [tilespmem:s15], [sflag:$0x4], $0x80, s16, s22, $0xb8;
	[tilespmem:$0x1DE00] =	vst v63  }
0x1f: {  	_ =	swait.ge [sflag:s14], $0x1800  }
0x20: {  	[sflag:s14] =	ssyncset.done $0x0  }
0x21: {  	[sflag:s14] =	ssyncadd.s32 $0xFFFFE800  }
0x22: {  	[bflag:$0x0] =	sbarrier.arrive $0xFFFF  }
0x23: {  	[hbm:s10], [sflag:s7] =	dma.local [spmem:s20], $0x1400  }
0x24: {  	s0 =	sadd.s32 $0x1, s0;
	_ =	swait.ge [sflag:s14], $0x1400  }
0x25: {  	p1 =	sne.s32 s0, s12;
	[sflag:s14] =	ssyncset.done $0x0  }
.Ltmp1:
0x26: {  	s3 =	simm.s32 @!p0 $0x4;
	[sflag:s14] =	ssyncadd.s32 $0xFFFFEC00;
	(pc) =	sbr.rel @!p1 .LBB2_10-.Ltmp1, $4  }
0x27: {  	[hbm:s11], [sflag:s7] =	dma.local @!p0 [spmem:s17], $0x300  }
0x28: {  	_ =	swait.ge @!p0 [sflag:s3], $0x300  }
0x29: {  	[sflag:s3] =	ssyncset.done @!p0 $0x0  }
0x2a: {  	[sflag:s3] =	ssyncadd.s32 @!p0 $0xFFFFFD00  }
.LBB2_1:
0x2b: {  	[spmem:s13], [sflag:s7] =	dma.local [hbm:s5], $0x1480  }
0x2c: {  	_ =	swait.ge [sflag:s14], $0x1480  }
0x2d: {  	[sflag:s14] =	ssyncset.done $0x0  }
0x2e: {  	[sflag:s14] =	ssyncadd.s32 $0xFFFFEB80  }
0x2f: {  	[tilespmem:s15], [sflag:$0x4] =	stream.linear.gather [hbm4b:s5+s4], $0x1800, $0x38;
	[tilespmem:$0x1DE00] =	vst v63  }
0x30: {  	_ =	swait.ge [sflag:s14], $0x1800  }
0x31: {  	[sflag:s14] =	ssyncset.done $0x0  }
0x32: {  	[sflag:s14] =	ssyncadd.s32 $0xFFFFE800  }
0x33: {  	[tilespmem:s16], [sflag:$0x4] =	stream.linear.gather [hbm4b:s21+s4], $0x80, $0x38;
	[tilespmem:$0x1DE00] =	vst v63  }
0x34: {  	_ =	swait.ge [sflag:s14], $0x80  }
0x35: {  	[sflag:s14] =	ssyncset.done $0x0  }
0x36: {  	s3 =	simm.s32 @!p0 $0x4;
	[sflag:s14] =	ssyncadd.s32 $0xFFFFFF80  }
0x37: {  	[spmem:s17], [sflag:s7] =	dma.local @!p0 [hbm:s5], $0x300  }
0x38: {  	_ =	swait.ge @!p0 [sflag:s3], $0x300  }
0x39: {  	[sflag:s3] =	ssyncset.done @!p0 $0x0  }
0x3a: {  	[sflag:s3] =	ssyncadd.s32 @!p0 $0xFFFFFD00  }
0x3b: {  	[tilespmem:s4], [sflag:$0x4] =	stream.linear.gather [hbm4b:s8+s4], $0x5000, $0x38;
	[tilespmem:$0x1DE00] =	vst v63  }
0x3c: {  	_ =	swait.ge [sflag:s14], $0x5000  }
0x3d: {  	[sflag:s14] =	ssyncset.done $0x0  }
0x3e: {  	[sflag:s14] =	ssyncadd.s32 $0xFFFFB000  }
0x3f: {  	[tilespmem:s18], [sflag:$0x4] =	stream.linear.gather [hbm4b:s9+s4], $0x5000, $0x38;
	[tilespmem:$0x1DE00] =	vst v63  }
0x40: {  	_ =	swait.ge [sflag:s14], $0x5000  }
0x41: {  	[sflag:s14] =	ssyncset.done $0x0  }
0x42: {  	s29 =	simm.s32 $0x0;
	v14 =	vimm.s32 $0x0;
	[sflag:s14] =	ssyncadd.s32 $0xFFFFB000  }
.LBB2_2:
0x43: {  	s30 =	sshra.s32 s29, $0x2  }
0x44: {  	v15 =	vld [tilespmem:s30+$0x5000];
	_ =	sdelay $0x4  }
0x45: {  	v16 =	vsub.s32 v15, v1  }
0x46: {  	vm2 =	vlt.s32 v15, $0x2710;
	vm1 =	vlt.u32 v16, $0x1400  }
0x47: {  	vm1 =	vmand vm2, vm1  }
0x48: {  	v17 =	vsel vm1, $0x1, v3  }
0x49: {  	(xrf0) =	vadd.scan.msk.s32 $0xffff, v17;
	_ =	sdelay $0x4  }
0x4a: {  	v62 =	vsel vm1, $0xFFFFFFFF, v3  }
0x4b: {  	v17 =	vadd.s32 v62, v14;
	v18, _, _ =	vpop (xrf0)  }
0x4c: {  	v19 =	vld [tilespmem:s30+$0x0];
	v17 =	vadd.s32 v18, v17  }
0x4d: {  	v15 =	vand.u32 $0x7F, v15;
	v20 =	vand.u32 $0xFFFFFF80, v16  }
0x4e: {  	v15 =	vor.u32 v15, v20;
	_ =	sdelay $0x2  }
0x4f: {  	[tilespmem:v17+s4+$0x0] =	vst.idx.msk vm1, v19  }
0x50: {  	[tilespmem:v17+s18+$0x0] =	vst.idx.msk vm1, v16  }
0x51: {  	[tilespmem:v15+s15+$0x0] =	vst.idx.add.f32.msk vm1, v4  }
0x52: {  	v15 =	vld [tilespmem:s30+$0x5010];
	_ =	sdelay $0x4  }
0x53: {  	v63 =	vsub.s32 v15, v1  }
0x54: {  	vm2 =	vlt.s32 v15, $0x2710;
	vm1 =	vlt.u32 v63, $0x1400  }
0x55: {  	vm1 =	vmand vm2, vm1  }
0x56: {  	v23 =	vsel vm1, $0x1, v3  }
0x57: {  	(xrf0) =	vadd.scan.msk.s32 $0xffff, v23;
	_ =	sdelay $0x2  }
0x58: {  	v24 =	vperm.xlane v18, v5;
	_ =	sdelay $0x1  }
0x59: {  	v14 =	vadd.s32 v14, v24;
	v25 =	vsel vm1, $0xFFFFFFFF, v3  }
0x5a: {  	v17 =	vadd.s32 v25, v14;
	v26, _, _ =	vpop (xrf0)  }
0x5b: {  	v19 =	vld [tilespmem:s30+$0x10];
	v17 =	vadd.s32 v26, v17  }
0x5c: {  	v15 =	vand.u32 $0x7F, v15;
	v27 =	vand.u32 $0xFFFFFF80, v63  }
0x5d: {  	v15 =	vor.u32 v15, v27;
	_ =	sdelay $0x2  }
0x5e: {  	[tilespmem:v17+s4+$0x0] =	vst.idx.msk vm1, v19  }
0x5f: {  	[tilespmem:v17+s18+$0x0] =	vst.idx.msk vm1, v63  }
0x60: {  	[tilespmem:v15+s15+$0x0] =	vst.idx.add.f32.msk vm1, v4  }
0x61: {  	v15 =	vld [tilespmem:s30+$0x5020];
	_ =	sdelay $0x4  }
0x62: {  	v28 =	vsub.s32 v15, v1  }
0x63: {  	vm2 =	vlt.s32 v15, $0x2710;
	vm1 =	vlt.u32 v28, $0x1400  }
0x64: {  	vm1 =	vmand vm2, vm1  }
0x65: {  	v29 =	vsel vm1, $0x1, v3  }
0x66: {  	(xrf0) =	vadd.scan.msk.s32 $0xffff, v29;
	_ =	sdelay $0x2  }
0x67: {  	v30 =	vperm.xlane v26, v5;
	_ =	sdelay $0x1  }
0x68: {  	v14 =	vadd.s32 v14, v30;
	v31 =	vsel vm1, $0xFFFFFFFF, v3  }
0x69: {  	v17 =	vadd.s32 v31, v14;
	v32, _, _ =	vpop (xrf0)  }
0x6a: {  	v19 =	vld [tilespmem:s30+$0x20];
	v17 =	vadd.s32 v32, v17  }
0x6b: {  	v15 =	vand.u32 $0x7F, v15;
	v33 =	vand.u32 $0xFFFFFF80, v28  }
0x6c: {  	v15 =	vor.u32 v15, v33;
	_ =	sdelay $0x2  }
0x6d: {  	[tilespmem:v17+s4+$0x0] =	vst.idx.msk vm1, v19  }
0x6e: {  	[tilespmem:v17+s18+$0x0] =	vst.idx.msk vm1, v28  }
0x6f: {  	[tilespmem:v15+s15+$0x0] =	vst.idx.add.f32.msk vm1, v4  }
0x70: {  	v15 =	vld [tilespmem:s30+$0x5030];
	_ =	sdelay $0x4  }
0x71: {  	v34 =	vsub.s32 v15, v1  }
0x72: {  	vm2 =	vlt.s32 v15, $0x2710;
	vm1 =	vlt.u32 v34, $0x1400  }
0x73: {  	vm1 =	vmand vm2, vm1  }
0x74: {  	v35 =	vsel vm1, $0x1, v3  }
0x75: {  	(xrf0) =	vadd.scan.msk.s32 $0xffff, v35;
	_ =	sdelay $0x2  }
0x76: {  	v36 =	vperm.xlane v32, v5;
	_ =	sdelay $0x1  }
0x77: {  	v14 =	vadd.s32 v14, v36;
	v37 =	vsel vm1, $0xFFFFFFFF, v3  }
0x78: {  	v17 =	vadd.s32 v37, v14;
	v38, _, _ =	vpop (xrf0)  }
0x79: {  	v19 =	vld [tilespmem:s30+$0x30];
	v17 =	vadd.s32 v38, v17  }
0x7a: {  	v15 =	vand.u32 $0x7F, v15;
	v39 =	vand.u32 $0xFFFFFF80, v34  }
0x7b: {  	v15 =	vor.u32 v15, v39;
	_ =	sdelay $0x2  }
0x7c: {  	[tilespmem:v17+s4+$0x0] =	vst.idx.msk vm1, v19  }
0x7d: {  	[tilespmem:v17+s18+$0x0] =	vst.idx.msk vm1, v34  }
0x7e: {  	[tilespmem:v15+s15+$0x0] =	vst.idx.add.f32.msk vm1, v4  }
0x7f: {  	v15 =	vld [tilespmem:s30+$0x5040];
	_ =	sdelay $0x4  }
0x80: {  	v40 =	vsub.s32 v15, v1  }
0x81: {  	vm2 =	vlt.s32 v15, $0x2710;
	vm1 =	vlt.u32 v40, $0x1400  }
0x82: {  	vm1 =	vmand vm2, vm1  }
0x83: {  	v41 =	vsel vm1, $0x1, v3  }
0x84: {  	(xrf0) =	vadd.scan.msk.s32 $0xffff, v41;
	_ =	sdelay $0x2  }
0x85: {  	v42 =	vperm.xlane v38, v5;
	_ =	sdelay $0x1  }
0x86: {  	v14 =	vadd.s32 v14, v42;
	v43 =	vsel vm1, $0xFFFFFFFF, v3  }
0x87: {  	v17 =	vadd.s32 v43, v14;
	v44, _, _ =	vpop (xrf0)  }
0x88: {  	v19 =	vld [tilespmem:s30+$0x40];
	v17 =	vadd.s32 v44, v17  }
0x89: {  	v15 =	vand.u32 $0x7F, v15;
	v45 =	vand.u32 $0xFFFFFF80, v40  }
0x8a: {  	v15 =	vor.u32 v15, v45;
	_ =	sdelay $0x2  }
0x8b: {  	[tilespmem:v17+s4+$0x0] =	vst.idx.msk vm1, v19  }
0x8c: {  	[tilespmem:v17+s18+$0x0] =	vst.idx.msk vm1, v40  }
0x8d: {  	[tilespmem:v15+s15+$0x0] =	vst.idx.add.f32.msk vm1, v4  }
0x8e: {  	v15 =	vld [tilespmem:s30+$0x5050];
	_ =	sdelay $0x4  }
0x8f: {  	v46 =	vsub.s32 v15, v1  }
0x90: {  	vm2 =	vlt.s32 v15, $0x2710;
	vm1 =	vlt.u32 v46, $0x1400  }
0x91: {  	vm1 =	vmand vm2, vm1  }
0x92: {  	v47 =	vsel vm1, $0x1, v3  }
0x93: {  	(xrf0) =	vadd.scan.msk.s32 $0xffff, v47;
	_ =	sdelay $0x2  }
0x94: {  	v48 =	vperm.xlane v44, v5;
	_ =	sdelay $0x1  }
0x95: {  	v14 =	vadd.s32 v14, v48;
	v49 =	vsel vm1, $0xFFFFFFFF, v3  }
0x96: {  	v17 =	vadd.s32 v49, v14;
	v50, _, _ =	vpop (xrf0)  }
0x97: {  	v19 =	vld [tilespmem:s30+$0x50];
	v17 =	vadd.s32 v50, v17  }
0x98: {  	v15 =	vand.u32 $0x7F, v15;
	v51 =	vand.u32 $0xFFFFFF80, v46  }
0x99: {  	v15 =	vor.u32 v15, v51;
	_ =	sdelay $0x2  }
0x9a: {  	[tilespmem:v17+s4+$0x0] =	vst.idx.msk vm1, v19  }
0x9b: {  	[tilespmem:v17+s18+$0x0] =	vst.idx.msk vm1, v46  }
0x9c: {  	[tilespmem:v15+s15+$0x0] =	vst.idx.add.f32.msk vm1, v4  }
0x9d: {  	v15 =	vld [tilespmem:s30+$0x5060];
	_ =	sdelay $0x4  }
0x9e: {  	v52 =	vsub.s32 v15, v1  }
0x9f: {  	vm2 =	vlt.s32 v15, $0x2710;
	vm1 =	vlt.u32 v52, $0x1400  }
0xa0: {  	vm1 =	vmand vm2, vm1  }
0xa1: {  	v53 =	vsel vm1, $0x1, v3  }
0xa2: {  	(xrf0) =	vadd.scan.msk.s32 $0xffff, v53;
	_ =	sdelay $0x2  }
0xa3: {  	v54 =	vperm.xlane v50, v5;
	_ =	sdelay $0x1  }
0xa4: {  	v14 =	vadd.s32 v14, v54;
	v55 =	vsel vm1, $0xFFFFFFFF, v3  }
0xa5: {  	v17 =	vadd.s32 v55, v14;
	v56, _, _ =	vpop (xrf0)  }
0xa6: {  	v19 =	vld [tilespmem:s30+$0x60];
	v17 =	vadd.s32 v56, v17  }
0xa7: {  	v15 =	vand.u32 $0x7F, v15;
	v57 =	vand.u32 $0xFFFFFF80, v52  }
0xa8: {  	v15 =	vor.u32 v15, v57;
	_ =	sdelay $0x2  }
0xa9: {  	[tilespmem:v17+s4+$0x0] =	vst.idx.msk vm1, v19  }
0xaa: {  	[tilespmem:v17+s18+$0x0] =	vst.idx.msk vm1, v52  }
0xab: {  	[tilespmem:v15+s15+$0x0] =	vst.idx.add.f32.msk vm1, v4  }
0xac: {  	v15 =	vld [tilespmem:s30+$0x5070];
	_ =	sdelay $0x4  }
0xad: {  	v58 =	vsub.s32 v15, v1  }
0xae: {  	vm2 =	vlt.s32 v15, $0x2710;
	vm1 =	vlt.u32 v58, $0x1400  }
0xaf: {  	vm1 =	vmand vm2, vm1  }
0xb0: {  	v59 =	vsel vm1, $0x1, v3  }
0xb1: {  	(xrf0) =	vadd.scan.msk.s32 $0xffff, v59;
	_ =	sdelay $0x2  }
0xb2: {  	v60 =	vperm.xlane v56, v5;
	_ =	sdelay $0x1  }
0xb3: {  	v14 =	vadd.s32 v14, v60;
	v61 =	vsel vm1, $0xFFFFFFFF, v3  }
0xb4: {  	v17 =	vadd.s32 v61, v14;
	v62, _, _ =	vpop (xrf0)  }
0xb5: {  	v19 =	vld [tilespmem:s30+$0x70];
	v17 =	vadd.s32 v62, v17  }
0xb6: {  	v15 =	vand.u32 $0x7F, v15;
	v63 =	vand.u32 $0xFFFFFF80, v58  }
0xb7: {  	p1 =	sne.s32 s29, $0x13E00;
	v15 =	vor.u32 v15, v63  }
.Ltmp2:
0xb8: {  	_ = 	snop;
	(pc) =	sbr.rel @p1 .LBB2_2-.Ltmp2, $4  }
0xb9: {  	_ = 	snop  }
0xba: {  	v18 =	vperm.xlane v62, v5;
	[tilespmem:v17+s4+$0x0] =	vst.idx.msk vm1, v19  }
0xbb: {  	[tilespmem:v17+s18+$0x0] =	vst.idx.msk vm1, v58  }
0xbc: {  	s29 =	sadd.s32 $0x200, s29;
	v14 =	vadd.s32 v14, v18;
	[tilespmem:v15+s15+$0x0] =	vst.idx.add.f32.msk vm1, v4  }
0xbd: {  	v15 =	vnsel vm0, $0x0, v14  }
0xbe: {  	(xrf0) =	vadd.scan.msk.s32 $0xffff, v15;
	_ =	sdelay $0x5  }
0xbf: {  	v15 =	vadd.s32 v0, v14;
	v17, _, _ =	vpop (xrf0)  }
0xc0: {  	vm1 =	vlt.s32 v15, $0x5000;
	(v2sf) =	vpush v17, $0xF  }
0xc1: {  	v16 =	vadd.s32 v7, v14  }
0xc2: {  	vm2 =	vlt.s32 v16, $0x5000  }
0xc3: {  	v18 =	vadd.s32 v10, v14  }
0xc4: {  	vm3 =	vlt.s32 v18, $0x5000  }
0xc5: {  	v56 =	vadd.s32 v13, v14  }
0xc6: {  	v19 =	vor.u32 $0x40, v0;
	vm4 =	vlt.s32 v56, $0x5000;
	[tilespmem:v15+s4+$0x0] =	vst.idx.msk vm1, v2  }
0xc7: {  	[tilespmem:v15+s18+$0x0] =	vst.idx.msk vm1, v6;
	v15 =	vadd.s32 v19, v14  }
0xc8: {  	v57 =	vor.u32 $0x50, v0;
	[tilespmem:v16+s4+$0x0] =	vst.idx.msk vm2, v8;
	vm1 =	vlt.s32 v15, $0x5000  }
0xc9: {  	v58 =	vadd.s32 v57, v14;
	[tilespmem:v16+s18+$0x0] =	vst.idx.msk vm2, v9  }
0xca: {  	v59 =	vor.u32 $0x60, v0;
	vm2 =	vlt.s32 v58, $0x5000;
	[tilespmem:v18+s4+$0x0] =	vst.idx.msk vm3, v11  }
0xcb: {  	v60 =	vor.u32 $0xC00, v2;
	v19 =	vadd.s32 v59, v14;
	[tilespmem:v18+s18+$0x0] =	vst.idx.msk vm3, v12  }
0xcc: {  	v61 =	vor.u32 $0x1430, v0;
	v20 =	vor.u32 $0x70, v0;
	vm3 =	vlt.s32 v19, $0x5000;
	[tilespmem:v56+s4+$0x0] =	vst.idx.msk vm4, v60  }
0xcd: {  	v62 =	vor.u32 $0x1000, v2;
	v14 =	vadd.s32 v20, v14;
	[tilespmem:v56+s18+$0x0] =	vst.idx.msk vm4, v61  }
0xce: {  	v63 =	vor.u32 $0x1440, v0;
	vm15 =	vlt.s32 v14, $0x5000;
	[tilespmem:v15+s4+$0x0] =	vst.idx.msk vm1, v62  }
0xcf: {  	[tilespmem:v15+s18+$0x0] =	vst.idx.msk vm1, v63;
	v15 =	vor.u32 $0x1400, v2;
	s3 =	spop (v2sf)  }
0xd0: {  	[tilespmem:v58+s4+$0x0] =	vst.idx.msk vm2, v15;
	v15 =	vor.u32 $0x1450, v0;
	s3 =	sadd.s32 $0x7F, s3  }
0xd1: {  	[tilespmem:v58+s18+$0x0] =	vst.idx.msk vm2, v15;
	v15 =	vor.u32 $0x1800, v2;
	s29 =	sshrl.u32 s3, $0x7  }
0xd2: {  	[tilespmem:v19+s4+$0x0] =	vst.idx.msk vm3, v15;
	v15 =	vor.u32 $0x1460, v0;
	p1 =	seq.s32 s29, $0x0  }
.Ltmp3:
0xd3: {  	[tilespmem:v19+s18+$0x0] =	vst.idx.msk vm3, v15;
	v15 =	vor.u32 $0x1C00, v2;
	(pc) =	sbr.rel @p1 .LBB2_9-.Ltmp3, $3  }
0xd4: {  	[tilespmem:v14+s4+$0x0] =	vst.idx.msk vm15, v15;
	v15 =	vor.u32 $0x1470, v0  }
0xd5: {  	[tilespmem:v14+s18+$0x0] =	vst.idx.msk vm15, v15  }
0xd6: {  	[bflag:$0x0] =	sbarrier.arrive $0xFFFF;
	_ =	sdelay $0x1  }
0xd7: {  	[tilespmem:s23], [sflag:$0x1] =	stream.indirect.gather [hbm4b:s1+s6], $0x80, s4, s6, $0xb8;
	[tilespmem:$0x1DE00] =	vst v63  }
0xd8: {  	_ = 	snop  }
0xd9: {  	[tilespmem:s31], [sflag:$0x3] =	stream.indirect.gather [hbm4b:s1+s6], $0x80, s6, s6, $0xb8;
	[tilespmem:$0x1DE00] =	vst v63  }
0xda: {  	_ =	swait.ge [sflag:s24], $0x2000  }
0xdb: {  	p1 =	seq.s32 s29, $0x1;
	[sflag:s24] =	ssyncset.done $0x0  }
.Ltmp4:
0xdc: {  	[sflag:s24] =	ssyncadd.s32 $0xFFFFE000;
	(pc) =	sbr.rel @p1 .LBB2_8-.Ltmp4, $4  }
0xdd: {  	_ =	swait.ge [sflag:s25], $0x2000  }
0xde: {  	[sflag:s25] =	ssyncset.done $0x0  }
0xdf: {  	[sflag:s25] =	ssyncadd.s32 $0xFFFFE000  }
0xe0: {  	[spmem:s2] =	stream.indirect.scatter.add.f32 [tilespmem:s23], [sflag:$0x2], $0x80, s18, s26, $0xb8;
	[tilespmem:$0x1DE00] =	vst v63  }
0xe1: {  	s3 =	simm.s32 $0xE000  }
0xe2: {  	[tilespmem:s3], [sflag:$0x1] =	stream.indirect.gather [hbm4b:s1+s6], $0x80, s26, s6, $0xb8;
	[tilespmem:$0x1DE00] =	vst v63  }
0xe3: {  	s22 =	simm.s32 $0xC0;
	s23 =	simm.s32 $0x10000  }
0xe4: {  	[tilespmem:s23], [sflag:$0x3] =	stream.indirect.gather [hbm4b:s1+s6], $0x80, s22, s6, $0xb8;
	[tilespmem:$0x1DE00] =	vst v63  }
0xe5: {  	s16 =	smov.u32 s10;
	s10 =	smov.u32 s9;
	_ =	swait.ge [sflag:s24], $0x2000  }
0xe6: {  	s9 =	smov.u32 s8;
	s8 =	smov.u32 s21;
	[sflag:s24] =	ssyncset.done $0x0  }
0xe7: {  	s21 =	smov.u32 s19;
	s30 =	sadd.s32 $0xFFFFFFFF, s29;
	[sflag:s24] =	ssyncadd.s32 $0xFFFFE000  }
0xe8: {  	s31 =	simm.s32 $0x2;
	p2 =	sne.s32 s29, $0x2;
	_ =	swait.ge [sflag:s25], $0x2000  }
0xe9: {  	p1 =	sle.s32 s30, $0x1;
	s22 =	simm.s32 $0x1;
	[sflag:s25] =	ssyncset.done $0x0  }
0xea: {  	s6 =	simm.s32 $0x5080;
	s3 =	sand.u32 $0x1, s22;
	[sflag:s25] =	ssyncadd.s32 $0xFFFFE000  }
0xeb: {  	s23 =	sshll.u32 s3, $0xE;
	s3 =	sshll.u32 @!p1 s3, $0xE;
	_ =	swait.ge [sflag:s28], $0x4000  }
0xec: {  	s19 =	sor.u32 $0xA000, s23;
	s22 =	sxor.u32 @!p1 $0x4000, s3;
	[sflag:s28] =	ssyncset.done $0x0  }
.Ltmp5:
0xed: {  	s23 =	simm.s32 $0x5100;
	[sflag:s28] =	ssyncadd.s32 $0xFFFFC000;
	(pc) =	sbr.rel @!p2 .LBB2_7-.Ltmp5, $4  }
0xee: {  	[spmem:s2] =	stream.indirect.scatter.add.f32 [tilespmem:s19], [sflag:$0x2], $0x80, s6, s26, $0xb8;
	[tilespmem:$0x1DE00] =	vst v63  }
0xef: {  	s22 =	sor.u32 @!p1 $0xA000, s22;
	s6 =	simm.s32 $0x100;
	s19 =	simm.s32 @!p1 $0x40  }
0xf0: {  	[tilespmem:s22], [sflag:$0x1] =	stream.indirect.gather @!p1 [hbm4b:s1+s19], $0x80, s6, s19, $0xb8;
	[tilespmem:$0x1DE00] =	vst v63  }
0xf1: {  	s22 =	ssub.s32 @!p1 $0x10000, s3;
	s6 =	simm.s32 @!p1 $0x140;
	s3 =	simm.s32 $0x180  }
.LBB2_6:
0xf2: {  	[tilespmem:s22], [sflag:$0x3] =	stream.indirect.gather @!p1 [hbm4b:s1+s19], $0x80, s6, s19, $0xb8;
	[tilespmem:$0x1DE00] =	vst v63  }
0xf3: {  	s6 =	smov.u32 s31;
	s31 =	sadd.s32 $0x1, s31  }
0xf4: {  	p2 =	sne.s32 s29, s31;
	_ =	swait.ge [sflag:s24], $0x2000  }
0xf5: {  	[sflag:s24] =	ssyncset.done $0x0  }
0xf6: {  	[sflag:s24] =	ssyncadd.s32 $0xFFFFE000  }
0xf7: {  	_ =	swait.ge [sflag:s25], $0x2000  }
0xf8: {  	[sflag:s25] =	ssyncset.done $0x0  }
0xf9: {  	s19 =	sand.u32 $0x1, s6;
	[sflag:s25] =	ssyncadd.s32 $0xFFFFE000  }
0xfa: {  	p1 =	sge.s32 s6, s30;
	s6 =	sshll.u32 s19, $0xE;
	_ =	swait.ge [sflag:s28], $0x4000  }
0xfb: {  	s22 =	sshll.u32 @!p1 s19, $0xE;
	s6 =	sor.u32 $0xA000, s6;
	[sflag:s28] =	ssyncset.done $0x0  }
.Ltmp6:
0xfc: {  	s19 =	sxor.u32 @!p1 $0x4000, s22;
	[sflag:s28] =	ssyncadd.s32 $0xFFFFC000;
	(pc) =	sbr.rel @p2 .LBB2_6-.Ltmp6, $4  }
0xfd: {  	[spmem:s2] =	stream.indirect.scatter.add.f32 [tilespmem:s6], [sflag:$0x2], $0x80, s23, s26, $0xb8;
	[tilespmem:$0x1DE00] =	vst v63  }
0xfe: {  	s6 =	sor.u32 @!p1 $0xA000, s19;
	s19 =	simm.s32 @!p1 $0x40;
	s23 =	sadd.s32 $0x80, s23  }
0xff: {  	[tilespmem:s6], [sflag:$0x1] =	stream.indirect.gather @!p1 [hbm4b:s1+s19], $0x80, s3, s19, $0xb8;
	[tilespmem:$0x1DE00] =	vst v63  }
0x100: {  	s22 =	ssub.s32 @!p1 $0x10000, s22;
	s6 =	sadd.s32 @!p1 $0x40, s3;
	s3 =	sadd.s32 $0x80, s3  }
.Ltmp7:
0x101: {  	_ = 	snop;
	(pc) =	sbr.rel .LBB2_7-.Ltmp7, $1  }
0x102: {  	_ =	sdelay $0x3  }
.LBB2_10:
0x103: {  	_ =	sfence.sel $0x180000  }
0x104: {  	[bflag:$0x0] =	sbarrier.arrive $0xFFFF  }
0x105: {  	_ =	strace $0x90000047  }
0x106: {  	[bflag:$0x2] =	sbarrier.arrive $0xFFFF  }
0x107: {  	s0 =	rddreg [dreg:$0x4]  }
0x108: {  	s0 =	sadd.s32 @!p0 $0x100000, s0  }
0x109: {  	[sflag:s0] =	ssyncadd.tile.s32 @!p0 $0x1;
	_ =	shalt  }
.Lfunc_end2:
_tile_overlayer_lowered:
.L_overlay_start_2:
0x10a: {  	(tag) =	ssettag $0x2  }
0x10b: {  	s0 =	rddreg [dreg:$0x0];
	s2 =	stileid.u32  }
0x10c: {  	s1 =	rddreg [dreg:$0x1];
	p0 =	sne.s32 s2, $0x0  }
0x10d: {  	s3 =	rddreg [dreg:$0x2];
	[bflag:$0x3] =	sbarrier.arrive $0xFFFF;
	s2 =	simm.s32 @!p0 $0x1C04  }
0x10e: {  	[timem:s3], [sflag:s2] =	dma.local @!p0 [hbm:s0], s1  }
0x10f: {  	s0 =	simm.s32 @!p0 $0x4  }
0x110: {  	_ =	swait.ge @!p0 [sflag:s0], s1  }
0x111: {  	s1 =	ssub.s32 @!p0 $0x0, s1;
	[sflag:s0] =	ssyncset.done @!p0 $0x0  }
0x112: {  	[sflag:s0] =	ssyncadd.s32 @!p0 s1  }
0x113: {  	[bflag:$0x3] =	sbarrier.arrive $0xFFFF  }
0x114: {  	_ =	shalt  }

</sc_bundles>
